<compile_context>
chip_gen: v7x
topology: tpu7x:2x2x1
jax: 0.10.2.dev20260603
libtpu: 0.0.44.dev20260713+nightly
codegen_flags: <defaults>
</compile_context>

<pallas_src>
import jax
import jax.numpy as jnp
from jax import lax
from jax.experimental import pallas as pl
from jax.experimental.pallas import tpu as pltpu
from jax.experimental.pallas import tpu_sc as plsc

_B = 16384
_EMBED = 32
_NC = 2
_NS = 16
_NW = _NC * _NS
_BPW = _B // _NW
_CHUNK = 128
_NCHUNK = _BPW // _CHUNK

_TCOLS = 16384
_H1 = 64
_HGROUP = 128 // _H1


def _pack_body(xT_ref, w_ref, y_ref):
  res = lax.dot_general(xT_ref[...], w_ref[...], (((0,), (0,)), ((), ())),
                        preferred_element_type=jnp.float32)
  res4 = res.reshape(_TCOLS // 16, _HGROUP, 8, _H1)
  pieces = [res4[:, k].reshape(_TCOLS // _HGROUP, _H1)
            for k in range(_HGROUP)]
  y_ref[...] = jnp.concatenate(pieces, axis=1)


def _pack_h1(tabT, w1half, n_rows):
  grid = pl.cdiv(n_rows, _TCOLS)
  return pl.pallas_call(
      _pack_body,
      grid=(grid,),
      in_specs=[
          pl.BlockSpec((_EMBED, _TCOLS), lambda i: (0, i)),
          pl.BlockSpec((_EMBED, _H1), lambda i: (0, 0)),
      ],
      out_specs=pl.BlockSpec((_TCOLS // _HGROUP, 128), lambda i: (i, 0)),
      out_shape=jax.ShapeDtypeStruct((grid * (_TCOLS // _HGROUP), 128),
                                     jnp.float32),
  )(tabT, w1half)


def _packed_coords(idx):
  q = ((_TCOLS // _HGROUP) * (idx // _TCOLS)
       + 8 * ((idx // 16) % (_TCOLS // 16)) + idx % 8)
  rem = (idx // 8) % _HGROUP
  return q, rem


def _sc_gather_body(utab, mtab, uidx, midx, uemb, memb,
                    idx_v, rows_a, rows_b, sem_a, sem_b):
  wid = lax.axis_index("s") * _NC + lax.axis_index("c")
  base = wid * _BPW

  def gather_table(tab4, idx_hbm, out_hbm):
    pltpu.sync_copy(idx_hbm.at[pl.ds(base, _BPW)], idx_v)

    def fire(j, buf, sem):
      return pltpu.async_copy(
          tab4.at[idx_v.at[pl.ds(j * _CHUNK, _CHUNK)]], buf, sem)

    cp = fire(0, rows_a, sem_a)
    for j in range(_NCHUNK):
      nxt = None
      if j + 1 < _NCHUNK:
        nxt = fire(j + 1, rows_b if j % 2 == 0 else rows_a,
                   sem_b if j % 2 == 0 else sem_a)
      cp.wait()
      rows = rows_a if j % 2 == 0 else rows_b
      pltpu.sync_copy(rows, out_hbm.at[pl.ds(base + j * _CHUNK, _CHUNK)])
      cp = nxt

  gather_table(utab, uidx, uemb)
  gather_table(mtab, midx, memb)


def _sc_gather(utab4, mtab4, uq, mq):
  mesh = plsc.VectorSubcoreMesh(core_axis_name="c", subcore_axis_name="s")
  f = pl.kernel(
      _sc_gather_body,
      out_type=(
          jax.ShapeDtypeStruct((_B, 128), jnp.float32),
          jax.ShapeDtypeStruct((_B, 128), jnp.float32),
      ),
      mesh=mesh,
      compiler_params=pltpu.CompilerParams(use_tc_tiling_on_sc=True),
      scratch_types=[
          pltpu.VMEM((_BPW,), jnp.int32),
          pltpu.VMEM((_CHUNK, 128), jnp.float32),
          pltpu.VMEM((_CHUNK, 128), jnp.float32),
          pltpu.SemaphoreType.DMA,
          pltpu.SemaphoreType.DMA,
      ],
  )
  return f(utab4, mtab4, uq, mq)


def _select_sub(x4, rem):
  return jnp.where(rem == 0, x4[:, 0:_H1], x4[:, _H1:2 * _H1])


def _mlp_body(u4_ref, m4_ref, urem_ref, mrem_ref, b1_ref,
              w2_ref, b2_ref, w3_ref, b3_ref, o_ref):
  h = (_select_sub(u4_ref[...], urem_ref[...])
       + _select_sub(m4_ref[...], mrem_ref[...]) + b1_ref[...])
  h = jnp.maximum(h, 0.0)
  h = jnp.dot(h, w2_ref[...], preferred_element_type=jnp.float32) + b2_ref[...]
  h = jnp.maximum(h, 0.0)
  y = jnp.dot(h, w3_ref[...], preferred_element_type=jnp.float32) + b3_ref[...]
  o_ref[...] = jax.nn.sigmoid(y)


_MLP_BLOCK = 2048


def _mlp(u4, m4, urem, mrem, b1, w2, b2, w3, b3):
  grid = (_B // _MLP_BLOCK,)
  full = lambda shape: pl.BlockSpec(shape, lambda i: (0, 0))
  return pl.pallas_call(
      _mlp_body,
      grid=grid,
      in_specs=[
          pl.BlockSpec((_MLP_BLOCK, 128), lambda i: (i, 0)),
          pl.BlockSpec((_MLP_BLOCK, 128), lambda i: (i, 0)),
          pl.BlockSpec((_MLP_BLOCK, 1), lambda i: (i, 0)),
          pl.BlockSpec((_MLP_BLOCK, 1), lambda i: (i, 0)),
          full(b1.shape),
          full(w2.shape), full(b2.shape), full(w3.shape), full(b3.shape),
      ],
      out_specs=pl.BlockSpec((_MLP_BLOCK, 1), lambda i: (i, 0)),
      out_shape=jax.ShapeDtypeStruct((_B, 1), jnp.float32),
  )(u4, m4, urem, mrem, b1, w2, b2, w3, b3)


def kernel(user_idx, movie_idx, user_table, movie_table, W1, b1, W2, b2, W3, b3):
  user_idx = user_idx.astype(jnp.int32)
  movie_idx = movie_idx.astype(jnp.int32)
  utab4 = _pack_h1(user_table.T, W1[:_EMBED], user_table.shape[0])
  mtab4 = _pack_h1(movie_table.T, W1[_EMBED:], movie_table.shape[0])
  uq, urem = _packed_coords(user_idx)
  mq, mrem = _packed_coords(movie_idx)
  u4, m4 = _sc_gather(utab4, mtab4, uq, mq)
  y = _mlp(u4, m4,
           urem.reshape(_B, 1),
           mrem.reshape(_B, 1),
           b1.reshape(1, -1),
           W2, b2.reshape(1, -1), W3, b3.reshape(1, 1))
  return y

# --- scband reference (transcript-rebuilt; emitter-appended) ---
"""Pipeline reference for scband-movie-recommendation-mlp-87960930222082 (READ-ONLY COPY).

The authoritative reference and input builder live on the scoring server;
editing this copy changes nothing except your own understanding.
"""

import jax, jax.numpy as jnp
import numpy as np

B = 16384
NUM_USERS = 100000
NUM_MOVIES = 1000000
EMBED = 32
H1 = 64
H2 = 32
OUT = 1


def setup_inputs(seed: int = 0) -> dict:
    key = jax.random.key(seed)
    ks = jax.random.split(key, 12)
    user_idx = jax.random.randint(ks[0], (B,), 0, NUM_USERS, dtype=jnp.int64 if jax.config.jax_enable_x64 else jnp.int32)
    movie_idx = jax.random.randint(ks[1], (B,), 0, NUM_MOVIES, dtype=jnp.int64 if jax.config.jax_enable_x64 else jnp.int32)
    user_table = jax.random.normal(ks[2], (NUM_USERS, EMBED), dtype=jnp.float32) * 0.02
    movie_table = jax.random.normal(ks[3], (NUM_MOVIES, EMBED), dtype=jnp.float32) * 0.02
    W1 = jax.random.normal(ks[4], (2 * EMBED, H1), dtype=jnp.float32) * (1.0 / np.sqrt(2 * EMBED))
    b1 = jnp.zeros((H1,), dtype=jnp.float32)
    W2 = jax.random.normal(ks[5], (H1, H2), dtype=jnp.float32) * (1.0 / np.sqrt(H1))
    b2 = jnp.zeros((H2,), dtype=jnp.float32)
    W3 = jax.random.normal(ks[6], (H2, OUT), dtype=jnp.float32) * (1.0 / np.sqrt(H2))
    b3 = jnp.zeros((OUT,), dtype=jnp.float32)
    return {
        "user_idx": user_idx,
        "movie_idx": movie_idx,
        "user_table": user_table,
        "movie_table": movie_table,
        "W1": W1, "b1": b1,
        "W2": W2, "b2": b2,
        "W3": W3, "b3": b3,
    }


def reference(user_idx, movie_idx, user_table, movie_table, W1, b1, W2, b2, W3, b3):
    user_emb = jnp.take(user_table, user_idx, axis=0)
    movie_emb = jnp.take(movie_table, movie_idx, axis=0)
    x = jnp.concatenate((user_emb, movie_emb), axis=-1)
    x = jax.nn.relu(x @ W1 + b1)
    x = jax.nn.relu(x @ W2 + b2)
    x = x @ W3 + b3
    return jax.nn.sigmoid(x)

if __name__ == "__main__":
    import jax
    _d = setup_inputs()
    print(jax.jit(kernel)(*tuple(_d.values())))

</pallas_src>

<mosaic_0001>
#map = affine_map<(d0, d1) -> (0, 0)>
#map1 = affine_map<(d0, d1) -> (0)>
module attributes {stable_mosaic.version = 14 : i64} {
  func.func @_sc_gather_body(%arg0: i32, %arg1: i32, %arg2: memref<57344x128xf32, #tpu.memory_space<hbm>>, %arg3: memref<507904x128xf32, #tpu.memory_space<hbm>>, %arg4: memref<16384xi32, #tpu.memory_space<hbm>>, %arg5: memref<16384xi32, #tpu.memory_space<hbm>>, %arg6: memref<16384x128xf32, #tpu.memory_space<hbm>>, %arg7: memref<16384x128xf32, #tpu.memory_space<hbm>>, %arg8: memref<512xi32, #tpu.memory_space<vmem>>, %arg9: memref<128x128xf32, #tpu.memory_space<vmem>>, %arg10: memref<128x128xf32, #tpu.memory_space<vmem>>, %arg11: memref<!tpu.dma_semaphore, #tpu.memory_space<semaphore_mem>>, %arg12: memref<!tpu.dma_semaphore, #tpu.memory_space<semaphore_mem>>) attributes {dimension_semantics = [#tpu.dimension_semantics<core_parallel>, #tpu.dimension_semantics<subcore_parallel>], iteration_bounds = array<i64: 2, 16>, scalar_prefetch = 0 : i64, scratch_operands = 5 : i64, tpu.core_type = #tpu.core_type<sc_vector_subcore>, window_params = [{transform_indices = #map}, {transform_indices = #map}, {transform_indices = #map1}, {transform_indices = #map1}, {transform_indices = #map}, {transform_indices = #map}]} {
    %mul3A = arith.constant 2 : i32
    %mul3A_0 = arith.muli %arg1, %mul3A : i32
    %add3A = arith.addi %mul3A_0, %arg0 : i32
    %mul3A_1 = arith.constant 512 : i32
    %mul3A_2 = arith.muli %add3A, %mul3A_1 : i32
    "tpu.region"() ({
      %run_scoped3A = tpu.sem_alloc : memref<!tpu.dma_semaphore, #tpu.memory_space<semaphore_mem>>
      %dma_start3A_97 = tpu.memref_slice %arg4[%mul3A_2] : memref<16384xi32, #tpu.memory_space<hbm>> -> memref<512xi32, #tpu.memory_space<hbm>>
      %dma_start3A_98 = tpu.memref_slice %arg4[%mul3A_2] : memref<16384xi32, #tpu.memory_space<hbm>> -> memref<512xi32, #tpu.memory_space<hbm>>
      tpu.enqueue_dma source(%dma_start3A_98 : memref<512xi32, #tpu.memory_space<hbm>>) target(%arg8 : memref<512xi32, #tpu.memory_space<vmem>>) target_semaphore(%run_scoped3A : memref<!tpu.dma_semaphore, #tpu.memory_space<semaphore_mem>>)
      %dma_wait3A_99 = tpu.memref_slice %arg4[%mul3A_2] : memref<16384xi32, #tpu.memory_space<hbm>> -> memref<512xi32, #tpu.memory_space<hbm>>
      %dma_wait3A_100 = tpu.memref_slice %arg4[%mul3A_2] : memref<16384xi32, #tpu.memory_space<hbm>> -> memref<512xi32, #tpu.memory_space<hbm>>
      tpu.wait_dma2 semaphore(%run_scoped3A : memref<!tpu.dma_semaphore, #tpu.memory_space<semaphore_mem>>) src(%dma_wait3A_100 : memref<512xi32, #tpu.memory_space<hbm>>) dst(%arg8 : memref<512xi32, #tpu.memory_space<vmem>>)
      tpu.yield
    }) : () -> ()
    %dma_start3A = arith.constant 0 : i32
    %dma_start3A_3 = tpu.memref_slice %arg8[%dma_start3A] : memref<512xi32, #tpu.memory_space<vmem>> -> memref<128xi32, #tpu.memory_space<vmem>>
    %dma_start3A_4 = arith.constant 0 : i32
    %dma_start3A_5 = arith.constant 0 : i32
    %dma_start3A_6 = tpu.memref_slice %arg2[%dma_start3A_4, %dma_start3A_5] : memref<57344x128xf32, #tpu.memory_space<hbm>> -> memref<57344x128xf32, #tpu.memory_space<hbm>>
    tpu.enqueue_indirect_dma source(%dma_start3A_6 : memref<57344x128xf32, #tpu.memory_space<hbm>>) target(%arg9 : memref<128x128xf32, #tpu.memory_space<vmem>>) offsets(%dma_start3A_3 : memref<128xi32, #tpu.memory_space<vmem>>) semaphore(%arg11 : memref<!tpu.dma_semaphore, #tpu.memory_space<semaphore_mem>>)
    %dma_start3A_7 = arith.constant 128 : i32
    %dma_start3A_8 = tpu.memref_slice %arg8[%dma_start3A_7] : memref<512xi32, #tpu.memory_space<vmem>> -> memref<128xi32, #tpu.memory_space<vmem>>
    %dma_start3A_9 = arith.constant 0 : i32
    %dma_start3A_10 = arith.constant 0 : i32
    %dma_start3A_11 = tpu.memref_slice %arg2[%dma_start3A_9, %dma_start3A_10] : memref<57344x128xf32, #tpu.memory_space<hbm>> -> memref<57344x128xf32, #tpu.memory_space<hbm>>
    tpu.enqueue_indirect_dma source(%dma_start3A_11 : memref<57344x128xf32, #tpu.memory_space<hbm>>) target(%arg10 : memref<128x128xf32, #tpu.memory_space<vmem>>) offsets(%dma_start3A_8 : memref<128xi32, #tpu.memory_space<vmem>>) semaphore(%arg12 : memref<!tpu.dma_semaphore, #tpu.memory_space<semaphore_mem>>)
    %dma_wait3A = arith.constant 0 : i32
    %dma_wait3A_12 = tpu.memref_slice %arg8[%dma_wait3A] : memref<512xi32, #tpu.memory_space<vmem>> -> memref<128xi32, #tpu.memory_space<vmem>>
    %dma_wait3A_13 = arith.constant 0 : i32
    %dma_wait3A_14 = arith.constant 0 : i32
    %dma_wait3A_15 = tpu.memref_slice %arg2[%dma_wait3A_13, %dma_wait3A_14] : memref<57344x128xf32, #tpu.memory_space<hbm>> -> memref<57344x128xf32, #tpu.memory_space<hbm>>
    tpu.wait_indirect_dma semaphore(%arg11 : memref<!tpu.dma_semaphore, #tpu.memory_space<semaphore_mem>>) src(%dma_wait3A_15 : memref<57344x128xf32, #tpu.memory_space<hbm>>) dst(%arg9 : memref<128x128xf32, #tpu.memory_space<vmem>>)
    %add3A_16 = arith.constant 0 : i32
    %add3A_17 = arith.addi %mul3A_2, %add3A_16 : i32
    "tpu.region"() ({
      %run_scoped3A = tpu.sem_alloc : memref<!tpu.dma_semaphore, #tpu.memory_space<semaphore_mem>>
      %dma_start3A_97 = arith.constant 0 : i32
      %dma_start3A_98 = tpu.memref_slice %arg6[%add3A_17, %dma_start3A_97] : memref<16384x128xf32, #tpu.memory_space<hbm>> -> memref<128x128xf32, #tpu.memory_space<hbm>>
      %dma_start3A_99 = arith.constant 0 : i32
      %dma_start3A_100 = tpu.memref_slice %arg6[%add3A_17, %dma_start3A_99] : memref<16384x128xf32, #tpu.memory_space<hbm>> -> memref<128x128xf32, #tpu.memory_space<hbm>>
      tpu.enqueue_dma source(%arg9 : memref<128x128xf32, #tpu.memory_space<vmem>>) target(%dma_start3A_100 : memref<128x128xf32, #tpu.memory_space<hbm>>) target_semaphore(%run_scoped3A : memref<!tpu.dma_semaphore, #tpu.memory_space<semaphore_mem>>)
      %dma_wait3A_101 = arith.constant 0 : i32
      %dma_wait3A_102 = tpu.memref_slice %arg6[%add3A_17, %dma_wait3A_101] : memref<16384x128xf32, #tpu.memory_space<hbm>> -> memref<128x128xf32, #tpu.memory_space<hbm>>
      %dma_wait3A_103 = arith.constant 0 : i32
      %dma_wait3A_104 = tpu.memref_slice %arg6[%add3A_17, %dma_wait3A_103] : memref<16384x128xf32, #tpu.memory_space<hbm>> -> memref<128x128xf32, #tpu.memory_space<hbm>>
      tpu.wait_dma2 semaphore(%run_scoped3A : memref<!tpu.dma_semaphore, #tpu.memory_space<semaphore_mem>>) src(%arg9 : memref<128x128xf32, #tpu.memory_space<vmem>>) dst(%dma_wait3A_104 : memref<128x128xf32, #tpu.memory_space<hbm>>)
      tpu.yield
    }) : () -> ()
    %dma_start3A_18 = arith.constant 256 : i32
    %dma_start3A_19 = tpu.memref_slice %arg8[%dma_start3A_18] : memref<512xi32, #tpu.memory_space<vmem>> -> memref<128xi32, #tpu.memory_space<vmem>>
    %dma_start3A_20 = arith.constant 0 : i32
    %dma_start3A_21 = arith.constant 0 : i32
    %dma_start3A_22 = tpu.memref_slice %arg2[%dma_start3A_20, %dma_start3A_21] : memref<57344x128xf32, #tpu.memory_space<hbm>> -> memref<57344x128xf32, #tpu.memory_space<hbm>>
    tpu.enqueue_indirect_dma source(%dma_start3A_22 : memref<57344x128xf32, #tpu.memory_space<hbm>>) target(%arg9 : memref<128x128xf32, #tpu.memory_space<vmem>>) offsets(%dma_start3A_19 : memref<128xi32, #tpu.memory_space<vmem>>) semaphore(%arg11 : memref<!tpu.dma_semaphore, #tpu.memory_space<semaphore_mem>>)
    %dma_wait3A_23 = arith.constant 128 : i32
    %dma_wait3A_24 = tpu.memref_slice %arg8[%dma_wait3A_23] : memref<512xi32, #tpu.memory_space<vmem>> -> memref<128xi32, #tpu.memory_space<vmem>>
    %dma_wait3A_25 = arith.constant 0 : i32
    %dma_wait3A_26 = arith.constant 0 : i32
    %dma_wait3A_27 = tpu.memref_slice %arg2[%dma_wait3A_25, %dma_wait3A_26] : memref<57344x128xf32, #tpu.memory_space<hbm>> -> memref<57344x128xf32, #tpu.memory_space<hbm>>
    tpu.wait_indirect_dma semaphore(%arg12 : memref<!tpu.dma_semaphore, #tpu.memory_space<semaphore_mem>>) src(%dma_wait3A_27 : memref<57344x128xf32, #tpu.memory_space<hbm>>) dst(%arg10 : memref<128x128xf32, #tpu.memory_space<vmem>>)
    %add3A_28 = arith.constant 128 : i32
    %add3A_29 = arith.addi %mul3A_2, %add3A_28 : i32
    "tpu.region"() ({
      %run_scoped3A = tpu.sem_alloc : memref<!tpu.dma_semaphore, #tpu.memory_space<semaphore_mem>>
      %dma_start3A_97 = arith.constant 0 : i32
      %dma_start3A_98 = tpu.memref_slice %arg6[%add3A_29, %dma_start3A_97] : memref<16384x128xf32, #tpu.memory_space<hbm>> -> memref<128x128xf32, #tpu.memory_space<hbm>>
      %dma_start3A_99 = arith.constant 0 : i32
      %dma_start3A_100 = tpu.memref_slice %arg6[%add3A_29, %dma_start3A_99] : memref<16384x128xf32, #tpu.memory_space<hbm>> -> memref<128x128xf32, #tpu.memory_space<hbm>>
      tpu.enqueue_dma source(%arg10 : memref<128x128xf32, #tpu.memory_space<vmem>>) target(%dma_start3A_100 : memref<128x128xf32, #tpu.memory_space<hbm>>) target_semaphore(%run_scoped3A : memref<!tpu.dma_semaphore, #tpu.memory_space<semaphore_mem>>)
      %dma_wait3A_101 = arith.constant 0 : i32
      %dma_wait3A_102 = tpu.memref_slice %arg6[%add3A_29, %dma_wait3A_101] : memref<16384x128xf32, #tpu.memory_space<hbm>> -> memref<128x128xf32, #tpu.memory_space<hbm>>
      %dma_wait3A_103 = arith.constant 0 : i32
      %dma_wait3A_104 = tpu.memref_slice %arg6[%add3A_29, %dma_wait3A_103] : memref<16384x128xf32, #tpu.memory_space<hbm>> -> memref<128x128xf32, #tpu.memory_space<hbm>>
      tpu.wait_dma2 semaphore(%run_scoped3A : memref<!tpu.dma_semaphore, #tpu.memory_space<semaphore_mem>>) src(%arg10 : memref<128x128xf32, #tpu.memory_space<vmem>>) dst(%dma_wait3A_104 : memref<128x128xf32, #tpu.memory_space<hbm>>)
      tpu.yield
    }) : () -> ()
    %dma_start3A_30 = arith.constant 384 : i32
    %dma_start3A_31 = tpu.memref_slice %arg8[%dma_start3A_30] : memref<512xi32, #tpu.memory_space<vmem>> -> memref<128xi32, #tpu.memory_space<vmem>>
    %dma_start3A_32 = arith.constant 0 : i32
    %dma_start3A_33 = arith.constant 0 : i32
    %dma_start3A_34 = tpu.memref_slice %arg2[%dma_start3A_32, %dma_start3A_33] : memref<57344x128xf32, #tpu.memory_space<hbm>> -> memref<57344x128xf32, #tpu.memory_space<hbm>>
    tpu.enqueue_indirect_dma source(%dma_start3A_34 : memref<57344x128xf32, #tpu.memory_space<hbm>>) target(%arg10 : memref<128x128xf32, #tpu.memory_space<vmem>>) offsets(%dma_start3A_31 : memref<128xi32, #tpu.memory_space<vmem>>) semaphore(%arg12 : memref<!tpu.dma_semaphore, #tpu.memory_space<semaphore_mem>>)
    %dma_wait3A_35 = arith.constant 256 : i32
    %dma_wait3A_36 = tpu.memref_slice %arg8[%dma_wait3A_35] : memref<512xi32, #tpu.memory_space<vmem>> -> memref<128xi32, #tpu.memory_space<vmem>>
    %dma_wait3A_37 = arith.constant 0 : i32
    %dma_wait3A_38 = arith.constant 0 : i32
    %dma_wait3A_39 = tpu.memref_slice %arg2[%dma_wait3A_37, %dma_wait3A_38] : memref<57344x128xf32, #tpu.memory_space<hbm>> -> memref<57344x128xf32, #tpu.memory_space<hbm>>
    tpu.wait_indirect_dma semaphore(%arg11 : memref<!tpu.dma_semaphore, #tpu.memory_space<semaphore_mem>>) src(%dma_wait3A_39 : memref<57344x128xf32, #tpu.memory_space<hbm>>) dst(%arg9 : memref<128x128xf32, #tpu.memory_space<vmem>>)
    %add3A_40 = arith.constant 256 : i32
    %add3A_41 = arith.addi %mul3A_2, %add3A_40 : i32
    "tpu.region"() ({
      %run_scoped3A = tpu.sem_alloc : memref<!tpu.dma_semaphore, #tpu.memory_space<semaphore_mem>>
      %dma_start3A_97 = arith.constant 0 : i32
      %dma_start3A_98 = tpu.memref_slice %arg6[%add3A_41, %dma_start3A_97] : memref<16384x128xf32, #tpu.memory_space<hbm>> -> memref<128x128xf32, #tpu.memory_space<hbm>>
      %dma_start3A_99 = arith.constant 0 : i32
      %dma_start3A_100 = tpu.memref_slice %arg6[%add3A_41, %dma_start3A_99] : memref<16384x128xf32, #tpu.memory_space<hbm>> -> memref<128x128xf32, #tpu.memory_space<hbm>>
      tpu.enqueue_dma source(%arg9 : memref<128x128xf32, #tpu.memory_space<vmem>>) target(%dma_start3A_100 : memref<128x128xf32, #tpu.memory_space<hbm>>) target_semaphore(%run_scoped3A : memref<!tpu.dma_semaphore, #tpu.memory_space<semaphore_mem>>)
      %dma_wait3A_101 = arith.constant 0 : i32
      %dma_wait3A_102 = tpu.memref_slice %arg6[%add3A_41, %dma_wait3A_101] : memref<16384x128xf32, #tpu.memory_space<hbm>> -> memref<128x128xf32, #tpu.memory_space<hbm>>
      %dma_wait3A_103 = arith.constant 0 : i32
      %dma_wait3A_104 = tpu.memref_slice %arg6[%add3A_41, %dma_wait3A_103] : memref<16384x128xf32, #tpu.memory_space<hbm>> -> memref<128x128xf32, #tpu.memory_space<hbm>>
      tpu.wait_dma2 semaphore(%run_scoped3A : memref<!tpu.dma_semaphore, #tpu.memory_space<semaphore_mem>>) src(%arg9 : memref<128x128xf32, #tpu.memory_space<vmem>>) dst(%dma_wait3A_104 : memref<128x128xf32, #tpu.memory_space<hbm>>)
      tpu.yield
    }) : () -> ()
    %dma_wait3A_42 = arith.constant 384 : i32
    %dma_wait3A_43 = tpu.memref_slice %arg8[%dma_wait3A_42] : memref<512xi32, #tpu.memory_space<vmem>> -> memref<128xi32, #tpu.memory_space<vmem>>
    %dma_wait3A_44 = arith.constant 0 : i32
    %dma_wait3A_45 = arith.constant 0 : i32
    %dma_wait3A_46 = tpu.memref_slice %arg2[%dma_wait3A_44, %dma_wait3A_45] : memref<57344x128xf32, #tpu.memory_space<hbm>> -> memref<57344x128xf32, #tpu.memory_space<hbm>>
    tpu.wait_indirect_dma semaphore(%arg12 : memref<!tpu.dma_semaphore, #tpu.memory_space<semaphore_mem>>) src(%dma_wait3A_46 : memref<57344x128xf32, #tpu.memory_space<hbm>>) dst(%arg10 : memref<128x128xf32, #tpu.memory_space<vmem>>)
    %add3A_47 = arith.constant 384 : i32
    %add3A_48 = arith.addi %mul3A_2, %add3A_47 : i32
    "tpu.region"() ({
      %run_scoped3A = tpu.sem_alloc : memref<!tpu.dma_semaphore, #tpu.memory_space<semaphore_mem>>
      %dma_start3A_97 = arith.constant 0 : i32
      %dma_start3A_98 = tpu.memref_slice %arg6[%add3A_48, %dma_start3A_97] : memref<16384x128xf32, #tpu.memory_space<hbm>> -> memref<128x128xf32, #tpu.memory_space<hbm>>
      %dma_start3A_99 = arith.constant 0 : i32
      %dma_start3A_100 = tpu.memref_slice %arg6[%add3A_48, %dma_start3A_99] : memref<16384x128xf32, #tpu.memory_space<hbm>> -> memref<128x128xf32, #tpu.memory_space<hbm>>
      tpu.enqueue_dma source(%arg10 : memref<128x128xf32, #tpu.memory_space<vmem>>) target(%dma_start3A_100 : memref<128x128xf32, #tpu.memory_space<hbm>>) target_semaphore(%run_scoped3A : memref<!tpu.dma_semaphore, #tpu.memory_space<semaphore_mem>>)
      %dma_wait3A_101 = arith.constant 0 : i32
      %dma_wait3A_102 = tpu.memref_slice %arg6[%add3A_48, %dma_wait3A_101] : memref<16384x128xf32, #tpu.memory_space<hbm>> -> memref<128x128xf32, #tpu.memory_space<hbm>>
      %dma_wait3A_103 = arith.constant 0 : i32
      %dma_wait3A_104 = tpu.memref_slice %arg6[%add3A_48, %dma_wait3A_103] : memref<16384x128xf32, #tpu.memory_space<hbm>> -> memref<128x128xf32, #tpu.memory_space<hbm>>
      tpu.wait_dma2 semaphore(%run_scoped3A : memref<!tpu.dma_semaphore, #tpu.memory_space<semaphore_mem>>) src(%arg10 : memref<128x128xf32, #tpu.memory_space<vmem>>) dst(%dma_wait3A_104 : memref<128x128xf32, #tpu.memory_space<hbm>>)
      tpu.yield
    }) : () -> ()
    "tpu.region"() ({
      %run_scoped3A = tpu.sem_alloc : memref<!tpu.dma_semaphore, #tpu.memory_space<semaphore_mem>>
      %dma_start3A_97 = tpu.memref_slice %arg5[%mul3A_2] : memref<16384xi32, #tpu.memory_space<hbm>> -> memref<512xi32, #tpu.memory_space<hbm>>
      %dma_start3A_98 = tpu.memref_slice %arg5[%mul3A_2] : memref<16384xi32, #tpu.memory_space<hbm>> -> memref<512xi32, #tpu.memory_space<hbm>>
      tpu.enqueue_dma source(%dma_start3A_98 : memref<512xi32, #tpu.memory_space<hbm>>) target(%arg8 : memref<512xi32, #tpu.memory_space<vmem>>) target_semaphore(%run_scoped3A : memref<!tpu.dma_semaphore, #tpu.memory_space<semaphore_mem>>)
      %dma_wait3A_99 = tpu.memref_slice %arg5[%mul3A_2] : memref<16384xi32, #tpu.memory_space<hbm>> -> memref<512xi32, #tpu.memory_space<hbm>>
      %dma_wait3A_100 = tpu.memref_slice %arg5[%mul3A_2] : memref<16384xi32, #tpu.memory_space<hbm>> -> memref<512xi32, #tpu.memory_space<hbm>>
      tpu.wait_dma2 semaphore(%run_scoped3A : memref<!tpu.dma_semaphore, #tpu.memory_space<semaphore_mem>>) src(%dma_wait3A_100 : memref<512xi32, #tpu.memory_space<hbm>>) dst(%arg8 : memref<512xi32, #tpu.memory_space<vmem>>)
      tpu.yield
    }) : () -> ()
    %dma_start3A_49 = arith.constant 0 : i32
    %dma_start3A_50 = tpu.memref_slice %arg8[%dma_start3A_49] : memref<512xi32, #tpu.memory_space<vmem>> -> memref<128xi32, #tpu.memory_space<vmem>>
    %dma_start3A_51 = arith.constant 0 : i32
    %dma_start3A_52 = arith.constant 0 : i32
    %dma_start3A_53 = tpu.memref_slice %arg3[%dma_start3A_51, %dma_start3A_52] : memref<507904x128xf32, #tpu.memory_space<hbm>> -> memref<507904x128xf32, #tpu.memory_space<hbm>>
    tpu.enqueue_indirect_dma source(%dma_start3A_53 : memref<507904x128xf32, #tpu.memory_space<hbm>>) target(%arg9 : memref<128x128xf32, #tpu.memory_space<vmem>>) offsets(%dma_start3A_50 : memref<128xi32, #tpu.memory_space<vmem>>) semaphore(%arg11 : memref<!tpu.dma_semaphore, #tpu.memory_space<semaphore_mem>>)
    %dma_start3A_54 = arith.constant 128 : i32
    %dma_start3A_55 = tpu.memref_slice %arg8[%dma_start3A_54] : memref<512xi32, #tpu.memory_space<vmem>> -> memref<128xi32, #tpu.memory_space<vmem>>
    %dma_start3A_56 = arith.constant 0 : i32
    %dma_start3A_57 = arith.constant 0 : i32
    %dma_start3A_58 = tpu.memref_slice %arg3[%dma_start3A_56, %dma_start3A_57] : memref<507904x128xf32, #tpu.memory_space<hbm>> -> memref<507904x128xf32, #tpu.memory_space<hbm>>
    tpu.enqueue_indirect_dma source(%dma_start3A_58 : memref<507904x128xf32, #tpu.memory_space<hbm>>) target(%arg10 : memref<128x128xf32, #tpu.memory_space<vmem>>) offsets(%dma_start3A_55 : memref<128xi32, #tpu.memory_space<vmem>>) semaphore(%arg12 : memref<!tpu.dma_semaphore, #tpu.memory_space<semaphore_mem>>)
    %dma_wait3A_59 = arith.constant 0 : i32
    %dma_wait3A_60 = tpu.memref_slice %arg8[%dma_wait3A_59] : memref<512xi32, #tpu.memory_space<vmem>> -> memref<128xi32, #tpu.memory_space<vmem>>
    %dma_wait3A_61 = arith.constant 0 : i32
    %dma_wait3A_62 = arith.constant 0 : i32
    %dma_wait3A_63 = tpu.memref_slice %arg3[%dma_wait3A_61, %dma_wait3A_62] : memref<507904x128xf32, #tpu.memory_space<hbm>> -> memref<507904x128xf32, #tpu.memory_space<hbm>>
    tpu.wait_indirect_dma semaphore(%arg11 : memref<!tpu.dma_semaphore, #tpu.memory_space<semaphore_mem>>) src(%dma_wait3A_63 : memref<507904x128xf32, #tpu.memory_space<hbm>>) dst(%arg9 : memref<128x128xf32, #tpu.memory_space<vmem>>)
    %add3A_64 = arith.constant 0 : i32
    %add3A_65 = arith.addi %mul3A_2, %add3A_64 : i32
    "tpu.region"() ({
      %run_scoped3A = tpu.sem_alloc : memref<!tpu.dma_semaphore, #tpu.memory_space<semaphore_mem>>
      %dma_start3A_97 = arith.constant 0 : i32
      %dma_start3A_98 = tpu.memref_slice %arg7[%add3A_65, %dma_start3A_97] : memref<16384x128xf32, #tpu.memory_space<hbm>> -> memref<128x128xf32, #tpu.memory_space<hbm>>
      %dma_start3A_99 = arith.constant 0 : i32
      %dma_start3A_100 = tpu.memref_slice %arg7[%add3A_65, %dma_start3A_99] : memref<16384x128xf32, #tpu.memory_space<hbm>> -> memref<128x128xf32, #tpu.memory_space<hbm>>
      tpu.enqueue_dma source(%arg9 : memref<128x128xf32, #tpu.memory_space<vmem>>) target(%dma_start3A_100 : memref<128x128xf32, #tpu.memory_space<hbm>>) target_semaphore(%run_scoped3A : memref<!tpu.dma_semaphore, #tpu.memory_space<semaphore_mem>>)
      %dma_wait3A_101 = arith.constant 0 : i32
      %dma_wait3A_102 = tpu.memref_slice %arg7[%add3A_65, %dma_wait3A_101] : memref<16384x128xf32, #tpu.memory_space<hbm>> -> memref<128x128xf32, #tpu.memory_space<hbm>>
      %dma_wait3A_103 = arith.constant 0 : i32
      %dma_wait3A_104 = tpu.memref_slice %arg7[%add3A_65, %dma_wait3A_103] : memref<16384x128xf32, #tpu.memory_space<hbm>> -> memref<128x128xf32, #tpu.memory_space<hbm>>
      tpu.wait_dma2 semaphore(%run_scoped3A : memref<!tpu.dma_semaphore, #tpu.memory_space<semaphore_mem>>) src(%arg9 : memref<128x128xf32, #tpu.memory_space<vmem>>) dst(%dma_wait3A_104 : memref<128x128xf32, #tpu.memory_space<hbm>>)
      tpu.yield
    }) : () -> ()
    %dma_start3A_66 = arith.constant 256 : i32
    %dma_start3A_67 = tpu.memref_slice %arg8[%dma_start3A_66] : memref<512xi32, #tpu.memory_space<vmem>> -> memref<128xi32, #tpu.memory_space<vmem>>
    %dma_start3A_68 = arith.constant 0 : i32
    %dma_start3A_69 = arith.constant 0 : i32
    %dma_start3A_70 = tpu.memref_slice %arg3[%dma_start3A_68, %dma_start3A_69] : memref<507904x128xf32, #tpu.memory_space<hbm>> -> memref<507904x128xf32, #tpu.memory_space<hbm>>
    tpu.enqueue_indirect_dma source(%dma_start3A_70 : memref<507904x128xf32, #tpu.memory_space<hbm>>) target(%arg9 : memref<128x128xf32, #tpu.memory_space<vmem>>) offsets(%dma_start3A_67 : memref<128xi32, #tpu.memory_space<vmem>>) semaphore(%arg11 : memref<!tpu.dma_semaphore, #tpu.memory_space<semaphore_mem>>)
    %dma_wait3A_71 = arith.constant 128 : i32
    %dma_wait3A_72 = tpu.memref_slice %arg8[%dma_wait3A_71] : memref<512xi32, #tpu.memory_space<vmem>> -> memref<128xi32, #tpu.memory_space<vmem>>
    %dma_wait3A_73 = arith.constant 0 : i32
    %dma_wait3A_74 = arith.constant 0 : i32
    %dma_wait3A_75 = tpu.memref_slice %arg3[%dma_wait3A_73, %dma_wait3A_74] : memref<507904x128xf32, #tpu.memory_space<hbm>> -> memref<507904x128xf32, #tpu.memory_space<hbm>>
    tpu.wait_indirect_dma semaphore(%arg12 : memref<!tpu.dma_semaphore, #tpu.memory_space<semaphore_mem>>) src(%dma_wait3A_75 : memref<507904x128xf32, #tpu.memory_space<hbm>>) dst(%arg10 : memref<128x128xf32, #tpu.memory_space<vmem>>)
    %add3A_76 = arith.constant 128 : i32
    %add3A_77 = arith.addi %mul3A_2, %add3A_76 : i32
    "tpu.region"() ({
      %run_scoped3A = tpu.sem_alloc : memref<!tpu.dma_semaphore, #tpu.memory_space<semaphore_mem>>
      %dma_start3A_97 = arith.constant 0 : i32
      %dma_start3A_98 = tpu.memref_slice %arg7[%add3A_77, %dma_start3A_97] : memref<16384x128xf32, #tpu.memory_space<hbm>> -> memref<128x128xf32, #tpu.memory_space<hbm>>
      %dma_start3A_99 = arith.constant 0 : i32
      %dma_start3A_100 = tpu.memref_slice %arg7[%add3A_77, %dma_start3A_99] : memref<16384x128xf32, #tpu.memory_space<hbm>> -> memref<128x128xf32, #tpu.memory_space<hbm>>
      tpu.enqueue_dma source(%arg10 : memref<128x128xf32, #tpu.memory_space<vmem>>) target(%dma_start3A_100 : memref<128x128xf32, #tpu.memory_space<hbm>>) target_semaphore(%run_scoped3A : memref<!tpu.dma_semaphore, #tpu.memory_space<semaphore_mem>>)
      %dma_wait3A_101 = arith.constant 0 : i32
      %dma_wait3A_102 = tpu.memref_slice %arg7[%add3A_77, %dma_wait3A_101] : memref<16384x128xf32, #tpu.memory_space<hbm>> -> memref<128x128xf32, #tpu.memory_space<hbm>>
      %dma_wait3A_103 = arith.constant 0 : i32
      %dma_wait3A_104 = tpu.memref_slice %arg7[%add3A_77, %dma_wait3A_103] : memref<16384x128xf32, #tpu.memory_space<hbm>> -> memref<128x128xf32, #tpu.memory_space<hbm>>
      tpu.wait_dma2 semaphore(%run_scoped3A : memref<!tpu.dma_semaphore, #tpu.memory_space<semaphore_mem>>) src(%arg10 : memref<128x128xf32, #tpu.memory_space<vmem>>) dst(%dma_wait3A_104 : memref<128x128xf32, #tpu.memory_space<hbm>>)
      tpu.yield
    }) : () -> ()
    %dma_start3A_78 = arith.constant 384 : i32
    %dma_start3A_79 = tpu.memref_slice %arg8[%dma_start3A_78] : memref<512xi32, #tpu.memory_space<vmem>> -> memref<128xi32, #tpu.memory_space<vmem>>
    %dma_start3A_80 = arith.constant 0 : i32
    %dma_start3A_81 = arith.constant 0 : i32
    %dma_start3A_82 = tpu.memref_slice %arg3[%dma_start3A_80, %dma_start3A_81] : memref<507904x128xf32, #tpu.memory_space<hbm>> -> memref<507904x128xf32, #tpu.memory_space<hbm>>
    tpu.enqueue_indirect_dma source(%dma_start3A_82 : memref<507904x128xf32, #tpu.memory_space<hbm>>) target(%arg10 : memref<128x128xf32, #tpu.memory_space<vmem>>) offsets(%dma_start3A_79 : memref<128xi32, #tpu.memory_space<vmem>>) semaphore(%arg12 : memref<!tpu.dma_semaphore, #tpu.memory_space<semaphore_mem>>)
    %dma_wait3A_83 = arith.constant 256 : i32
    %dma_wait3A_84 = tpu.memref_slice %arg8[%dma_wait3A_83] : memref<512xi32, #tpu.memory_space<vmem>> -> memref<128xi32, #tpu.memory_space<vmem>>
    %dma_wait3A_85 = arith.constant 0 : i32
    %dma_wait3A_86 = arith.constant 0 : i32
    %dma_wait3A_87 = tpu.memref_slice %arg3[%dma_wait3A_85, %dma_wait3A_86] : memref<507904x128xf32, #tpu.memory_space<hbm>> -> memref<507904x128xf32, #tpu.memory_space<hbm>>
    tpu.wait_indirect_dma semaphore(%arg11 : memref<!tpu.dma_semaphore, #tpu.memory_space<semaphore_mem>>) src(%dma_wait3A_87 : memref<507904x128xf32, #tpu.memory_space<hbm>>) dst(%arg9 : memref<128x128xf32, #tpu.memory_space<vmem>>)
    %add3A_88 = arith.constant 256 : i32
    %add3A_89 = arith.addi %mul3A_2, %add3A_88 : i32
    "tpu.region"() ({
      %run_scoped3A = tpu.sem_alloc : memref<!tpu.dma_semaphore, #tpu.memory_space<semaphore_mem>>
      %dma_start3A_97 = arith.constant 0 : i32
      %dma_start3A_98 = tpu.memref_slice %arg7[%add3A_89, %dma_start3A_97] : memref<16384x128xf32, #tpu.memory_space<hbm>> -> memref<128x128xf32, #tpu.memory_space<hbm>>
      %dma_start3A_99 = arith.constant 0 : i32
      %dma_start3A_100 = tpu.memref_slice %arg7[%add3A_89, %dma_start3A_99] : memref<16384x128xf32, #tpu.memory_space<hbm>> -> memref<128x128xf32, #tpu.memory_space<hbm>>
      tpu.enqueue_dma source(%arg9 : memref<128x128xf32, #tpu.memory_space<vmem>>) target(%dma_start3A_100 : memref<128x128xf32, #tpu.memory_space<hbm>>) target_semaphore(%run_scoped3A : memref<!tpu.dma_semaphore, #tpu.memory_space<semaphore_mem>>)
      %dma_wait3A_101 = arith.constant 0 : i32
      %dma_wait3A_102 = tpu.memref_slice %arg7[%add3A_89, %dma_wait3A_101] : memref<16384x128xf32, #tpu.memory_space<hbm>> -> memref<128x128xf32, #tpu.memory_space<hbm>>
      %dma_wait3A_103 = arith.constant 0 : i32
      %dma_wait3A_104 = tpu.memref_slice %arg7[%add3A_89, %dma_wait3A_103] : memref<16384x128xf32, #tpu.memory_space<hbm>> -> memref<128x128xf32, #tpu.memory_space<hbm>>
      tpu.wait_dma2 semaphore(%run_scoped3A : memref<!tpu.dma_semaphore, #tpu.memory_space<semaphore_mem>>) src(%arg9 : memref<128x128xf32, #tpu.memory_space<vmem>>) dst(%dma_wait3A_104 : memref<128x128xf32, #tpu.memory_space<hbm>>)
      tpu.yield
    }) : () -> ()
    %dma_wait3A_90 = arith.constant 384 : i32
    %dma_wait3A_91 = tpu.memref_slice %arg8[%dma_wait3A_90] : memref<512xi32, #tpu.memory_space<vmem>> -> memref<128xi32, #tpu.memory_space<vmem>>
    %dma_wait3A_92 = arith.constant 0 : i32
    %dma_wait3A_93 = arith.constant 0 : i32
    %dma_wait3A_94 = tpu.memref_slice %arg3[%dma_wait3A_92, %dma_wait3A_93] : memref<507904x128xf32, #tpu.memory_space<hbm>> -> memref<507904x128xf32, #tpu.memory_space<hbm>>
    tpu.wait_indirect_dma semaphore(%arg12 : memref<!tpu.dma_semaphore, #tpu.memory_space<semaphore_mem>>) src(%dma_wait3A_94 : memref<507904x128xf32, #tpu.memory_space<hbm>>) dst(%arg10 : memref<128x128xf32, #tpu.memory_space<vmem>>)
    %add3A_95 = arith.constant 384 : i32
    %add3A_96 = arith.addi %mul3A_2, %add3A_95 : i32
    "tpu.region"() ({
      %run_scoped3A = tpu.sem_alloc : memref<!tpu.dma_semaphore, #tpu.memory_space<semaphore_mem>>
      %dma_start3A_97 = arith.constant 0 : i32
      %dma_start3A_98 = tpu.memref_slice %arg7[%add3A_96, %dma_start3A_97] : memref<16384x128xf32, #tpu.memory_space<hbm>> -> memref<128x128xf32, #tpu.memory_space<hbm>>
      %dma_start3A_99 = arith.constant 0 : i32
      %dma_start3A_100 = tpu.memref_slice %arg7[%add3A_96, %dma_start3A_99] : memref<16384x128xf32, #tpu.memory_space<hbm>> -> memref<128x128xf32, #tpu.memory_space<hbm>>
      tpu.enqueue_dma source(%arg10 : memref<128x128xf32, #tpu.memory_space<vmem>>) target(%dma_start3A_100 : memref<128x128xf32, #tpu.memory_space<hbm>>) target_semaphore(%run_scoped3A : memref<!tpu.dma_semaphore, #tpu.memory_space<semaphore_mem>>)
      %dma_wait3A_101 = arith.constant 0 : i32
      %dma_wait3A_102 = tpu.memref_slice %arg7[%add3A_96, %dma_wait3A_101] : memref<16384x128xf32, #tpu.memory_space<hbm>> -> memref<128x128xf32, #tpu.memory_space<hbm>>
      %dma_wait3A_103 = arith.constant 0 : i32
      %dma_wait3A_104 = tpu.memref_slice %arg7[%add3A_96, %dma_wait3A_103] : memref<16384x128xf32, #tpu.memory_space<hbm>> -> memref<128x128xf32, #tpu.memory_space<hbm>>
      tpu.wait_dma2 semaphore(%run_scoped3A : memref<!tpu.dma_semaphore, #tpu.memory_space<semaphore_mem>>) src(%arg10 : memref<128x128xf32, #tpu.memory_space<vmem>>) dst(%dma_wait3A_104 : memref<128x128xf32, #tpu.memory_space<hbm>>)
      tpu.yield
    }) : () -> ()
    return
  }
}

module attributes {stable_mosaic.version = 14 : i64} {
  func.func @_pack_body(%arg0: i32, %arg1: memref<32x16384xf32, #tpu.memory_space<vmem>>, %arg2: memref<32x64xf32, #tpu.memory_space<vmem>>, %arg3: memref<8192x128xf32, #tpu.memory_space<vmem>>) attributes {dimension_semantics = [#tpu.dimension_semantics<arbitrary>], iteration_bounds = array<i64: 62>, scalar_prefetch = 0 : i64, scratch_operands = 0 : i64, tpu.core_type = #tpu.core_type<tc>, window_params = [{transform_indices = @transform_0, window_bounds = array<i64: 32, 16384>}, {pipeline_mode = #tpu.pipeline_mode<synchronous>, transform_indices = @transform_1, window_bounds = array<i64: 32, 64>}, {transform_indices = @transform_2, window_bounds = array<i64: 8192, 128>}]} {
    %get3A = arith.constant 0 : index
    %get3A_0 = arith.constant 0 : index
    %get3A_1 = vector.load %arg1[%get3A, %get3A_0] : memref<32x16384xf32, #tpu.memory_space<vmem>>, vector<32x16384xf32>
    %get3A_2 = arith.constant 0 : index
    %get3A_3 = arith.constant 0 : index
    %get3A_4 = vector.load %arg2[%get3A_2, %get3A_3] : memref<32x64xf32, #tpu.memory_space<vmem>>, vector<32x64xf32>
    %dot_general3A = arith.constant dense<0.000000e+00> : vector<16384x64xf32>
    %dot_general3A_5 = tpu.matmul %get3A_1, %get3A_4, %dot_general3A {dimension_numbers = #tpu.dot_dimension_numbers<[0], [0], [1], [1], [0, 1, 1, 1], [], []>, transpose_lhs_hint = false} : vector<32x16384xf32>, vector<32x64xf32>, vector<16384x64xf32> -> vector<16384x64xf32>
    %reshape3A = vector.shape_cast %dot_general3A_5 : vector<16384x64xf32> to vector<1024x2x8x64xf32>
    %slice3A = vector.extract_strided_slice %reshape3A {offsets = [0, 0, 0, 0], sizes = [1024, 1, 8, 64], strides = [1, 1, 1, 1]} : vector<1024x2x8x64xf32> to vector<1024x1x8x64xf32>
    %squeeze3A = vector.shape_cast %slice3A : vector<1024x1x8x64xf32> to vector<1024x8x64xf32>
    %reshape3A_6 = vector.shape_cast %squeeze3A : vector<1024x8x64xf32> to vector<8192x64xf32>
    %slice3A_7 = vector.extract_strided_slice %reshape3A {offsets = [0, 1, 0, 0], sizes = [1024, 1, 8, 64], strides = [1, 1, 1, 1]} : vector<1024x2x8x64xf32> to vector<1024x1x8x64xf32>
    %squeeze3A_8 = vector.shape_cast %slice3A_7 : vector<1024x1x8x64xf32> to vector<1024x8x64xf32>
    %reshape3A_9 = vector.shape_cast %squeeze3A_8 : vector<1024x8x64xf32> to vector<8192x64xf32>
    %concatenate3A = tpu.concatenate %reshape3A_6, %reshape3A_9 in 1 : vector<8192x64xf32>, vector<8192x64xf32> -> vector<8192x128xf32>
    %swap3A = arith.constant 0 : index
    %swap3A_10 = arith.constant 0 : index
    %swap3A_11 = vector.load %arg3[%swap3A, %swap3A_10] : memref<8192x128xf32, #tpu.memory_space<vmem>>, vector<8192x128xf32>
    tpu.vector_store %arg3[%swap3A, %swap3A_10], %concatenate3A {strides = array<i32>} : memref<8192x128xf32, #tpu.memory_space<vmem>>, vector<8192x128xf32>,
    return
  }
  func.func @transform_0(%arg0: i32) -> (i32, i32) {
    %c0_i32 = arith.constant 0 : i32
    %c0_i32_0 = arith.constant 0 : i32
    return %c0_i32, %arg0 : i32, i32
  }
  func.func @transform_1(%arg0: i32) -> (i32, i32) {
    %c0_i32 = arith.constant 0 : i32
    %c0_i32_0 = arith.constant 0 : i32
    %c0_i32_1 = arith.constant 0 : i32
    return %c0_i32, %c0_i32_0 : i32, i32
  }
  func.func @transform_2(%arg0: i32) -> (i32, i32) {
    %c0_i32 = arith.constant 0 : i32
    %c0_i32_0 = arith.constant 0 : i32
    return %arg0, %c0_i32 : i32, i32
  }
}

module attributes {stable_mosaic.version = 14 : i64} {
  func.func @_pack_body(%arg0: i32, %arg1: memref<32x16384xf32, #tpu.memory_space<vmem>>, %arg2: memref<32x64xf32, #tpu.memory_space<vmem>>, %arg3: memref<8192x128xf32, #tpu.memory_space<vmem>>) attributes {dimension_semantics = [#tpu.dimension_semantics<arbitrary>], iteration_bounds = array<i64: 7>, scalar_prefetch = 0 : i64, scratch_operands = 0 : i64, tpu.core_type = #tpu.core_type<tc>, window_params = [{transform_indices = @transform_0, window_bounds = array<i64: 32, 16384>}, {pipeline_mode = #tpu.pipeline_mode<synchronous>, transform_indices = @transform_1, window_bounds = array<i64: 32, 64>}, {transform_indices = @transform_2, window_bounds = array<i64: 8192, 128>}]} {
    %get3A = arith.constant 0 : index
    %get3A_0 = arith.constant 0 : index
    %get3A_1 = vector.load %arg1[%get3A, %get3A_0] : memref<32x16384xf32, #tpu.memory_space<vmem>>, vector<32x16384xf32>
    %get3A_2 = arith.constant 0 : index
    %get3A_3 = arith.constant 0 : index
    %get3A_4 = vector.load %arg2[%get3A_2, %get3A_3] : memref<32x64xf32, #tpu.memory_space<vmem>>, vector<32x64xf32>
    %dot_general3A = arith.constant dense<0.000000e+00> : vector<16384x64xf32>
    %dot_general3A_5 = tpu.matmul %get3A_1, %get3A_4, %dot_general3A {dimension_numbers = #tpu.dot_dimension_numbers<[0], [0], [1], [1], [0, 1, 1, 1], [], []>, transpose_lhs_hint = false} : vector<32x16384xf32>, vector<32x64xf32>, vector<16384x64xf32> -> vector<16384x64xf32>
    %reshape3A = vector.shape_cast %dot_general3A_5 : vector<16384x64xf32> to vector<1024x2x8x64xf32>
    %slice3A = vector.extract_strided_slice %reshape3A {offsets = [0, 0, 0, 0], sizes = [1024, 1, 8, 64], strides = [1, 1, 1, 1]} : vector<1024x2x8x64xf32> to vector<1024x1x8x64xf32>
    %squeeze3A = vector.shape_cast %slice3A : vector<1024x1x8x64xf32> to vector<1024x8x64xf32>
    %reshape3A_6 = vector.shape_cast %squeeze3A : vector<1024x8x64xf32> to vector<8192x64xf32>
    %slice3A_7 = vector.extract_strided_slice %reshape3A {offsets = [0, 1, 0, 0], sizes = [1024, 1, 8, 64], strides = [1, 1, 1, 1]} : vector<1024x2x8x64xf32> to vector<1024x1x8x64xf32>
    %squeeze3A_8 = vector.shape_cast %slice3A_7 : vector<1024x1x8x64xf32> to vector<1024x8x64xf32>
    %reshape3A_9 = vector.shape_cast %squeeze3A_8 : vector<1024x8x64xf32> to vector<8192x64xf32>
    %concatenate3A = tpu.concatenate %reshape3A_6, %reshape3A_9 in 1 : vector<8192x64xf32>, vector<8192x64xf32> -> vector<8192x128xf32>
    %swap3A = arith.constant 0 : index
    %swap3A_10 = arith.constant 0 : index
    %swap3A_11 = vector.load %arg3[%swap3A, %swap3A_10] : memref<8192x128xf32, #tpu.memory_space<vmem>>, vector<8192x128xf32>
    tpu.vector_store %arg3[%swap3A, %swap3A_10], %concatenate3A {strides = array<i32>} : memref<8192x128xf32, #tpu.memory_space<vmem>>, vector<8192x128xf32>,
    return
  }
  func.func @transform_0(%arg0: i32) -> (i32, i32) {
    %c0_i32 = arith.constant 0 : i32
    %c0_i32_0 = arith.constant 0 : i32
    return %c0_i32, %arg0 : i32, i32
  }
  func.func @transform_1(%arg0: i32) -> (i32, i32) {
    %c0_i32 = arith.constant 0 : i32
    %c0_i32_0 = arith.constant 0 : i32
    %c0_i32_1 = arith.constant 0 : i32
    return %c0_i32, %c0_i32_0 : i32, i32
  }
  func.func @transform_2(%arg0: i32) -> (i32, i32) {
    %c0_i32 = arith.constant 0 : i32
    %c0_i32_0 = arith.constant 0 : i32
    return %arg0, %c0_i32 : i32, i32
  }
}

module attributes {stable_mosaic.version = 14 : i64} {
  func.func @_mlp_body(%arg0: i32, %arg1: memref<2048x128xf32, #tpu.memory_space<vmem>>, %arg2: memref<2048x128xf32, #tpu.memory_space<vmem>>, %arg3: memref<2048x1xi32, #tpu.memory_space<vmem>>, %arg4: memref<2048x1xi32, #tpu.memory_space<vmem>>, %arg5: memref<1x64xf32, #tpu.memory_space<vmem>>, %arg6: memref<64x32xf32, #tpu.memory_space<vmem>>, %arg7: memref<1x32xf32, #tpu.memory_space<vmem>>, %arg8: memref<32x1xf32, #tpu.memory_space<vmem>>, %arg9: memref<1x1xf32, #tpu.memory_space<vmem>>, %arg10: memref<2048x1xf32, #tpu.memory_space<vmem>>) attributes {dimension_semantics = [#tpu.dimension_semantics<arbitrary>], iteration_bounds = array<i64: 8>, scalar_prefetch = 0 : i64, scratch_operands = 0 : i64, tpu.core_type = #tpu.core_type<tc>, window_params = [{transform_indices = @transform_0, window_bounds = array<i64: 2048, 128>}, {transform_indices = @transform_1, window_bounds = array<i64: 2048, 128>}, {transform_indices = @transform_2, window_bounds = array<i64: 2048, 1>}, {transform_indices = @transform_3, window_bounds = array<i64: 2048, 1>}, {pipeline_mode = #tpu.pipeline_mode<synchronous>, transform_indices = @transform_4, window_bounds = array<i64: 1, 64>}, {pipeline_mode = #tpu.pipeline_mode<synchronous>, transform_indices = @transform_5, window_bounds = array<i64: 64, 32>}, {pipeline_mode = #tpu.pipeline_mode<synchronous>, transform_indices = @transform_6, window_bounds = array<i64: 1, 32>}, {pipeline_mode = #tpu.pipeline_mode<synchronous>, transform_indices = @transform_7, window_bounds = array<i64: 32, 1>}, {pipeline_mode = #tpu.pipeline_mode<synchronous>, transform_indices = @transform_8, window_bounds = array<i64: 1, 1>}, {transform_indices = @transform_9, window_bounds = array<i64: 2048, 1>}]} {
    %get3A = arith.constant 0 : index
    %get3A_0 = arith.constant 0 : index
    %get3A_1 = vector.load %arg1[%get3A, %get3A_0] : memref<2048x128xf32, #tpu.memory_space<vmem>>, vector<2048x128xf32>
    %get3A_2 = arith.constant 0 : index
    %get3A_3 = arith.constant 0 : index
    %get3A_4 = vector.load %arg3[%get3A_2, %get3A_3] : memref<2048x1xi32, #tpu.memory_space<vmem>>, vector<2048x1xi32>
    %eq3A = arith.constant 0 : i32
    %eq3A_5 = vector.broadcast %eq3A : i32 to vector<2048x1xi32>
    %eq3A_6 = arith.cmpi eq, %get3A_4, %eq3A_5 : vector<2048x1xi32>
    %slice3A = vector.extract_strided_slice %get3A_1 {offsets = [0, 0], sizes = [2048, 64], strides = [1, 1]} : vector<2048x128xf32> to vector<2048x64xf32>
    %slice3A_7 = vector.extract_strided_slice %get3A_1 {offsets = [0, 64], sizes = [2048, 64], strides = [1, 1]} : vector<2048x128xf32> to vector<2048x64xf32>
    %broadcast_in_dim3A = vector.shape_cast %eq3A_6 : vector<2048x1xi1> to vector<2048x1xi1>
    %broadcast_in_dim3A_8 = vector.broadcast %broadcast_in_dim3A : vector<2048x1xi1> to vector<2048x64xi1>
    %select_n3A = arith.select %broadcast_in_dim3A_8, %slice3A, %slice3A_7 : vector<2048x64xi1>, vector<2048x64xf32>
    %get3A_9 = arith.constant 0 : index
    %get3A_10 = arith.constant 0 : index
    %get3A_11 = vector.load %arg2[%get3A_9, %get3A_10] : memref<2048x128xf32, #tpu.memory_space<vmem>>, vector<2048x128xf32>
    %get3A_12 = arith.constant 0 : index
    %get3A_13 = arith.constant 0 : index
    %get3A_14 = vector.load %arg4[%get3A_12, %get3A_13] : memref<2048x1xi32, #tpu.memory_space<vmem>>, vector<2048x1xi32>
    %eq3A_15 = arith.constant 0 : i32
    %eq3A_16 = vector.broadcast %eq3A_15 : i32 to vector<2048x1xi32>
    %eq3A_17 = arith.cmpi eq, %get3A_14, %eq3A_16 : vector<2048x1xi32>
    %slice3A_18 = vector.extract_strided_slice %get3A_11 {offsets = [0, 0], sizes = [2048, 64], strides = [1, 1]} : vector<2048x128xf32> to vector<2048x64xf32>
    %slice3A_19 = vector.extract_strided_slice %get3A_11 {offsets = [0, 64], sizes = [2048, 64], strides = [1, 1]} : vector<2048x128xf32> to vector<2048x64xf32>
    %broadcast_in_dim3A_20 = vector.shape_cast %eq3A_17 : vector<2048x1xi1> to vector<2048x1xi1>
    %broadcast_in_dim3A_21 = vector.broadcast %broadcast_in_dim3A_20 : vector<2048x1xi1> to vector<2048x64xi1>
    %select_n3A_22 = arith.select %broadcast_in_dim3A_21, %slice3A_18, %slice3A_19 : vector<2048x64xi1>, vector<2048x64xf32>
    %add3A = arith.addf %select_n3A, %select_n3A_22 : vector<2048x64xf32>
    %get3A_23 = arith.constant 0 : index
    %get3A_24 = arith.constant 0 : index
    %get3A_25 = vector.load %arg5[%get3A_23, %get3A_24] : memref<1x64xf32, #tpu.memory_space<vmem>>, vector<1x64xf32>
    %add3A_26 = vector.broadcast %get3A_25 : vector<1x64xf32> to vector<2048x64xf32>
    %add3A_27 = arith.addf %add3A, %add3A_26 : vector<2048x64xf32>
    %max3A = arith.constant 0.000000e+00 : f32
    %max3A_28 = vector.broadcast %max3A : f32 to vector<2048x64xf32>
    %max3A_29 = arith.maximumf %add3A_27, %max3A_28 : vector<2048x64xf32>
    %get3A_30 = arith.constant 0 : index
    %get3A_31 = arith.constant 0 : index
    %get3A_32 = vector.load %arg6[%get3A_30, %get3A_31] : memref<64x32xf32, #tpu.memory_space<vmem>>, vector<64x32xf32>
    %dot_general3A = arith.constant dense<0.000000e+00> : vector<2048x32xf32>
    %dot_general3A_33 = tpu.matmul %max3A_29, %get3A_32, %dot_general3A {dimension_numbers = #tpu.dot_dimension_numbers<[1], [0], [0], [1], [0, 0, 1, 1], [], []>, transpose_lhs_hint = false} : vector<2048x64xf32>, vector<64x32xf32>, vector<2048x32xf32> -> vector<2048x32xf32>
    %get3A_34 = arith.constant 0 : index
    %get3A_35 = arith.constant 0 : index
    %get3A_36 = vector.load %arg7[%get3A_34, %get3A_35] : memref<1x32xf32, #tpu.memory_space<vmem>>, vector<1x32xf32>
    %add3A_37 = vector.broadcast %get3A_36 : vector<1x32xf32> to vector<2048x32xf32>
    %add3A_38 = arith.addf %dot_general3A_33, %add3A_37 : vector<2048x32xf32>
    %max3A_39 = arith.constant 0.000000e+00 : f32
    %max3A_40 = vector.broadcast %max3A_39 : f32 to vector<2048x32xf32>
    %max3A_41 = arith.maximumf %add3A_38, %max3A_40 : vector<2048x32xf32>
    %get3A_42 = arith.constant 0 : index
    %get3A_43 = arith.constant 0 : index
    %get3A_44 = vector.load %arg8[%get3A_42, %get3A_43] : memref<32x1xf32, #tpu.memory_space<vmem>>, vector<32x1xf32>
    %dot_general3A_45 = arith.constant dense<0.000000e+00> : vector<2048x1xf32>
    %dot_general3A_46 = tpu.matmul %max3A_41, %get3A_44, %dot_general3A_45 {dimension_numbers = #tpu.dot_dimension_numbers<[1], [0], [0], [1], [0, 0, 1, 1], [], []>, transpose_lhs_hint = false} : vector<2048x32xf32>, vector<32x1xf32>, vector<2048x1xf32> -> vector<2048x1xf32>
    %get3A_47 = arith.constant 0 : index
    %get3A_48 = arith.constant 0 : index
    %get3A_49 = vector.load %arg9[%get3A_47, %get3A_48] : memref<1x1xf32, #tpu.memory_space<vmem>>, vector<1x1xf32>
    %add3A_50 = vector.broadcast %get3A_49 : vector<1x1xf32> to vector<2048x1xf32>
    %add3A_51 = arith.addf %dot_general3A_46, %add3A_50 : vector<2048x1xf32>
    %logistic3A = arith.negf %add3A_51 : vector<2048x1xf32>
    %logistic3A_52 = math.exp %logistic3A : vector<2048x1xf32>
    %logistic3A_53 = arith.constant 1.000000e+00 : f32
    %logistic3A_54 = vector.broadcast %logistic3A_53 : f32 to vector<2048x1xf32>
    %logistic3A_55 = arith.addf %logistic3A_54, %logistic3A_52 : vector<2048x1xf32>
    %logistic3A_56 = arith.divf %logistic3A_54, %logistic3A_55 : vector<2048x1xf32>
    %swap3A = arith.constant 0 : index
    %swap3A_57 = arith.constant 0 : index
    %swap3A_58 = vector.load %arg10[%swap3A, %swap3A_57] : memref<2048x1xf32, #tpu.memory_space<vmem>>, vector<2048x1xf32>
    tpu.vector_store %arg10[%swap3A, %swap3A_57], %logistic3A_56 {strides = array<i32>} : memref<2048x1xf32, #tpu.memory_space<vmem>>, vector<2048x1xf32>,
    return
  }
  func.func @transform_0(%arg0: i32) -> (i32, i32) {
    %c0_i32 = arith.constant 0 : i32
    %c0_i32_0 = arith.constant 0 : i32
    return %arg0, %c0_i32 : i32, i32
  }
  func.func @transform_1(%arg0: i32) -> (i32, i32) {
    %c0_i32 = arith.constant 0 : i32
    %c0_i32_0 = arith.constant 0 : i32
    return %arg0, %c0_i32 : i32, i32
  }
  func.func @transform_2(%arg0: i32) -> (i32, i32) {
    %c0_i32 = arith.constant 0 : i32
    %c0_i32_0 = arith.constant 0 : i32
    return %arg0, %c0_i32 : i32, i32
  }
  func.func @transform_3(%arg0: i32) -> (i32, i32) {
    %c0_i32 = arith.constant 0 : i32
    %c0_i32_0 = arith.constant 0 : i32
    return %arg0, %c0_i32 : i32, i32
  }
  func.func @transform_4(%arg0: i32) -> (i32, i32) {
    %c0_i32 = arith.constant 0 : i32
    %c0_i32_0 = arith.constant 0 : i32
    %c0_i32_1 = arith.constant 0 : i32
    return %c0_i32, %c0_i32_0 : i32, i32
  }
  func.func @transform_5(%arg0: i32) -> (i32, i32) {
    %c0_i32 = arith.constant 0 : i32
    %c0_i32_0 = arith.constant 0 : i32
    %c0_i32_1 = arith.constant 0 : i32
    return %c0_i32, %c0_i32_0 : i32, i32
  }
  func.func @transform_6(%arg0: i32) -> (i32, i32) {
    %c0_i32 = arith.constant 0 : i32
    %c0_i32_0 = arith.constant 0 : i32
    %c0_i32_1 = arith.constant 0 : i32
    return %c0_i32, %c0_i32_0 : i32, i32
  }
  func.func @transform_7(%arg0: i32) -> (i32, i32) {
    %c0_i32 = arith.constant 0 : i32
    %c0_i32_0 = arith.constant 0 : i32
    %c0_i32_1 = arith.constant 0 : i32
    return %c0_i32, %c0_i32_0 : i32, i32
  }
  func.func @transform_8(%arg0: i32) -> (i32, i32) {
    %c0_i32 = arith.constant 0 : i32
    %c0_i32_0 = arith.constant 0 : i32
    %c0_i32_1 = arith.constant 0 : i32
    return %c0_i32, %c0_i32_0 : i32, i32
  }
  func.func @transform_9(%arg0: i32) -> (i32, i32) {
    %c0_i32 = arith.constant 0 : i32
    %c0_i32_0 = arith.constant 0 : i32
    return %arg0, %c0_i32 : i32, i32
  }
}

</mosaic_0001>

<sc_bundles>
// kernel: kernel.6.cloned.1.call-start
scs
__scs_entry_jumppad:
0x0: {  	(pc) =	sbr.rel $0x88, $3  }
0x1: {  	(tag) =	ssettag $0x0;
	lr =	simm.s32 $0x1  }
0x2: {  	[smem:$0x3F97] =	sst lr;
	_ =	strace $0xD0000000  }
0x3: {  	_ = 	snop  }
0x4: {  	_ = 	snop  }
0x5: {  	_ = 	snop  }
0x6: {  	_ = 	snop  }
0x7: {  	_ = 	snop  }
__scs_overlays_trampoline_lowered:
0x8: {  	[smem:$0x3FA6] =	sst s0  }
0x9: {  	[smem:$0x3FA7] =	sst s1  }
0xa: {  	[smem:$0x3FA8] =	sst s2  }
0xb: {  	[smem:$0x3FA9] =	sst s3  }
0xc: {  	[smem:$0x3FAA] =	sst s4  }
0xd: {  	[smem:$0x3FAB] =	sst s5  }
0xe: {  	[smem:$0x3FAC] =	sst s6  }
0xf: {  	[smem:$0x3FAD] =	sst s7  }
0x10: {  	[smem:$0x3FAE] =	sst s8  }
0x11: {  	[smem:$0x3FAF] =	sst s9;
	s0 =	simm.s32 @!p0 $0x0  }
0x12: {  	s1 =	sld [smem:$0x3F95];
	s0 =	simm.s32 @p0 $0x1  }
0x13: {  	[smem:$0x3FB0] =	sst s0;
	s0 =	simm.s32 @!p1 $0x0  }
0x14: {  	s2 =	sld [smem:$0x3F94];
	s0 =	simm.s32 @p1 $0x1  }
0x15: {  	[smem:$0x3FB1] =	sst s0;
	s0 =	simm.s32 @!p2 $0x0  }
0x16: {  	s3 =	sld [smem:$0x3FDB];
	s0 =	simm.s32 @p2 $0x1  }
0x17: {  	s4 =	simm.s32 $0x1BF5;
	[smem:$0x3FB3] =	sst s0  }
0x18: {  	s0 =	sld [smem:$0x3F96];
	_ =	swait.ge [sflag:s4], $0x0  }
0x19: {  	s7 =	sld [smem:$0x3F97]  }
0x1a: {  	s8 =	sadd.s32 $0xFFFFE003, lr  }
0x1b: {  	s9 =	sadd.s32 $0xFFFFFEF7, lr;
	s5 =	simm.s32 $0xFFFFFFFF;
	p2 =	slt.u32 s8, $0xFFFFF086  }
0x1c: {  	p1 =	slt.u32 s9, $0xF7A;
	s5 =	simm.s32 @!p2 $0x0  }
0x1d: {  	s5 =	simm.s32 @p1 $0x1;
	p0 =	seq.s32 s7, s2  }
0x1e: {  	s7 =	smul.u32 @!p0 $0xF7A, s2;
	p2 =	seq.s32 @!p0 s5, $0x0  }
0x1f: {  	s9 =	smul.u32 $0xF7A, s1;
	s8 =	simm.s32 @!p0 $0x1BF5;
	p2 =	por !p2, p0  }
0x20: {  	[sflag:s8] =	ssyncset.s32 @!p0 $0xFFFFF086;
	s6 =	sadd.s32 @!p0 s3, s7;
	s7 =	simm.s32 @!p0 $0x108  }
0x21: {  	s3 =	sadd.s32 s3, s9;
	s6 =	sadd.s32 @!p0 $0x88, s6;
	s7 =	simm.s32 @p2 $0x1082  }
0x22: {  	[simem:s7], [sflag:s8] =	dma.local @!p0 [hbm:s6], $0xF7A  }
0x23: {  	s9 =	sor.u32 $0xD0000000, s2;
	s6 =	simm.s32 $0x108;
	_ =	swait.ge @!p0 [sflag:s8], $0x0  }
0x24: {  	s3 =	sadd.s32 $0x88, s3;
	s6 =	simm.s32 @!p1 $0x1082;
	[sflag:s4] =	ssyncset.s32 $0xFFFFF086  }
0x25: {  	[simem:s6], [sflag:s4] =	dma.local [hbm:s3], $0xF7A  }
0x26: {  	[smem:$0x3F97] =	sst s1;
	(tag) =	ssettag s2;
	_ =	strace s9  }
0x27: {  	s1 =	sld [smem:$0x3FA7]  }
0x28: {  	s2 =	sld [smem:$0x3FA8]  }
0x29: {  	s4 =	sld [smem:$0x3FAA]  }
0x2a: {  	p0 =	seq.s32 s5, $0x0;
	s5 =	sld [smem:$0x3FAB]  }
0x2b: {  	s6 =	sld [smem:$0x3FAC]  }
0x2c: {  	s7 =	sld [smem:$0x3FAD]  }
0x2d: {  	s3 =	simm.s32 $0x108;
	s8 =	sld [smem:$0x3FAE]  }
0x2e: {  	s3 =	simm.s32 @!p0 $0x1082;
	s9 =	sld [smem:$0x3FAF]  }
0x2f: {  	lr =	sadd.s32 s0, s3;
	s0 =	sld [smem:$0x3FA6]  }
0x30: {  	s3 =	sld [smem:$0x3FA9]  }
0x31: {  	[smem:$0x3FB2] =	sst s10  }
0x32: {  	s10 =	sld [smem:$0x3FB0];
	_ =	sdelay $0x3  }
0x33: {  	p0 =	seq.s32 s10, $0x1;
	s10 =	sld [smem:$0x3FB2];
	_ =	sdelay $0x3  }
0x34: {  	[smem:$0x3FB2] =	sst s10  }
0x35: {  	s10 =	sld [smem:$0x3FB1];
	_ =	sdelay $0x3  }
0x36: {  	p1 =	seq.s32 s10, $0x1;
	s10 =	sld [smem:$0x3FB2];
	_ =	sdelay $0x3  }
0x37: {  	[smem:$0x3FB2] =	sst s10  }
0x38: {  	s10 =	sld [smem:$0x3FB3]  }
0x39: {  	_ = 	snop;
	(pc) =	sbr.ind lr, $3  }
0x3a: {  	_ = 	snop  }
0x3b: {  	_ = 	snop  }
0x3c: {  	p2 =	seq.s32 s10, $0x1;
	s10 =	sld [smem:$0x3FB2]  }
0x3d: {  	_ =	shalt  }
0x3e: {  	_ =	shalt  }
0x3f: {  	_ =	shalt  }
0x40: {  	_ =	shalt  }
0x41: {  	_ =	shalt  }
0x42: {  	_ =	shalt  }
0x43: {  	_ =	shalt  }
0x44: {  	_ =	shalt  }
0x45: {  	_ =	shalt  }
0x46: {  	_ =	shalt  }
0x47: {  	_ =	shalt  }
0x48: {  	_ =	shalt  }
0x49: {  	_ =	shalt  }
0x4a: {  	_ =	shalt  }
0x4b: {  	_ =	shalt  }
0x4c: {  	_ =	shalt  }
0x4d: {  	_ =	shalt  }
0x4e: {  	_ =	shalt  }
0x4f: {  	_ =	shalt  }
0x50: {  	_ =	shalt  }
0x51: {  	_ =	shalt  }
0x52: {  	_ =	shalt  }
0x53: {  	_ =	shalt  }
0x54: {  	_ =	shalt  }
0x55: {  	_ =	shalt  }
0x56: {  	_ =	shalt  }
0x57: {  	_ =	shalt  }
0x58: {  	_ =	shalt  }
0x59: {  	_ =	shalt  }
0x5a: {  	_ =	shalt  }
0x5b: {  	_ =	shalt  }
0x5c: {  	_ =	shalt  }
0x5d: {  	_ =	shalt  }
0x5e: {  	_ =	shalt  }
0x5f: {  	_ =	shalt  }
0x60: {  	_ =	shalt  }
0x61: {  	_ =	shalt  }
0x62: {  	_ =	shalt  }
0x63: {  	_ =	shalt  }
0x64: {  	_ =	shalt  }
0x65: {  	_ =	shalt  }
0x66: {  	_ =	shalt  }
0x67: {  	_ =	shalt  }
0x68: {  	_ =	shalt  }
0x69: {  	_ =	shalt  }
0x6a: {  	_ =	shalt  }
0x6b: {  	_ =	shalt  }
0x6c: {  	_ =	shalt  }
0x6d: {  	_ =	shalt  }
0x6e: {  	_ =	shalt  }
0x6f: {  	_ =	shalt  }
0x70: {  	_ =	shalt  }
0x71: {  	_ =	shalt  }
0x72: {  	_ =	shalt  }
0x73: {  	_ =	shalt  }
0x74: {  	_ =	shalt  }
0x75: {  	_ =	shalt  }
0x76: {  	_ =	shalt  }
0x77: {  	_ =	shalt  }
0x78: {  	_ =	shalt  }
0x79: {  	_ =	shalt  }
0x7a: {  	_ =	shalt  }
0x7b: {  	_ =	shalt  }
0x7c: {  	_ =	shalt  }
0x7d: {  	_ =	shalt  }
0x7e: {  	_ =	shalt  }
0x7f: {  	_ =	shalt  }
0x80: {  	_ =	shalt  }
0x81: {  	_ =	shalt  }
0x82: {  	_ =	shalt  }
0x83: {  	_ =	shalt  }
0x84: {  	_ =	shalt  }
0x85: {  	_ =	shalt  }
0x86: {  	_ =	shalt  }
0x87: {  	_ =	shalt  }
.Lfunc_end0:
.L_simem_size_0:
called_computation_lowered:
.L_overlay_start_0:
0x88: {  	s2 =	sld [smem:$0x3FD9]  }
0x89: {  	s3 =	sld [smem:$0x3FFE];
	_ =	sdelay $0x1  }
0x8a: {  	s1 =	srdreg.scid  }
0x8b: {  	s0 =	sand.u32 $0x1, s1  }
0x8c: {  	s16 =	sshll.u32 s0, $0xA;
	s2 =	sadd.s32 s3, s2  }
0x8d: {  	s2 =	sadd.s32 s2, s16  }
0x8e: {  	[smem:$0x3FBE] =	sst s2  }
0x8f: {  	_ = 	snop  }
0x90: {  	(tm) =	ssettm $0x1  }
0x91: {  	s17 =	sld [smem:$0x3FFB];
	_ =	sdelay $0x3  }
0x92: {  	_ =	strace s17  }
0x93: {  	s2 =	sld [smem:$0x3FFC];
	_ =	sdelay $0x3  }
0x94: {  	_ =	strace s2  }
0x95: {  	s2 =	sld [smem:$0x3FFD];
	_ =	sdelay $0x3  }
0x96: {  	_ =	strace s2  }
0x97: {  	_ =	strace $0x8FFFFFFF  }
0x98: {  	s18 =	sld [smem:$0x3FDB];
	_ =	sdelay $0x1  }
0x99: {  	s19 =	simm.s32 $_scs_section_size  }
0x9a: {  	s4 =	simm.s32 $_size__tile_overlayer_lowered;
	s5 =	simm.s32 $_tile_overlayer_lowered  }
0x9b: {  	s22 =	simm.s32 $0x1BFF;
	s21 =	sshll.u32 s5, $0x1;
	s2 =	sadd.s32 s19, s18  }
0x9c: {  	s6 =	simm.s32 $0x0;
	s20 =	sshll.u32 s4, $0x1;
	s4 =	sadd.s32 s21, s2  }
0x9d: {  	[timem:s6], [sflag:s22] =	dma.local [hbm:s4], s20  }
0x9e: {  	_ =	swait.ge [sflag:s22], s20  }
0x9f: {  	s3 =	ssub.s32 $0x0, s20;
	[sflag:s22] =	ssyncset.done $0x0  }
0xa0: {  	[sflag:s22] =	ssyncadd.s32 s3;
	_ =	sdelay $0x1  }
0xa1: {  	s23 =	simm.s32 $0x1B8B  }
0xa2: {  	_ =	swait.ge [sflag:s23], $0x1  }
0xa3: {  	[sflag:s23] =	ssyncset.done $0x0  }
0xa4: {  	s25 =	simm.s32 $0x1B8E;
	s24 =	sld [smem:$0x3FFE];
	[sflag:s23] =	ssyncadd.s32 $0xFFFFFFFF  }
0xa5: {  	s26 =	simm.s32 $execute0_lowered;
	[smem:$0x3FD2] =	sst s25  }
0xa6: {  	s4 =	sshll.u32 s26, $0x1;
	_ =	strace $0x80000046;
	[dreg:$0x1] =	wrdreg $0xFFFFFFFF  }
0xa7: {  	s28 =	simm.s32 $_size_execute0_lowered;
	s2 =	sadd.s32 s2, s4;
	[dreg:$0x0] =	wrdreg $0x0  }
0xa8: {  	s4 =	sshll.u32 s28, $0x1;
	[dreg:$0x2] =	wrdreg s2  }
0xa9: {  	[dreg:$0x3] =	wrdreg s4  }
0xaa: {  	[dreg:$0x4] =	wrdreg $0xC0  }
0xab: {  	_ =	task [dreg:s6], $0x5FFFF  }
0xac: {  	[dreg:$0x1] =	wrdreg $0xFFFFFFFF  }
0xad: {  	[dreg:$0x0] =	wrdreg $0x60  }
0xae: {  	[dreg:$0x2] =	wrdreg s24  }
0xaf: {  	[dreg:$0x3] =	wrdreg $0x9  }
0xb0: {  	_ =	task.clear_ibuf [dreg:s6], $0x4FFFF;
	_ =	strace $0x90000046  }
0xb1: {  	s29 =	simm.s32 $0x9;
	_ =	strace $0x80000048  }
0xb2: {  	_ =	swait.ge [sflag:s29], $0x1  }
0xb3: {  	[sflag:s29] =	ssyncadd.s32 $0xFFFFFFFF  }
0xb4: {  	_ =	strace $0x90000048  }
0xb5: {  	_ =	sfence  }
0xb6: {  	s30 =	sld [smem:$0x0];
	_ =	sdelay $0x2  }
0xb7: {  	s31 =	sshll.u32 s1, $0xD;
	s1 =	sshrl.u32 s1, $0x2  }
0xb8: {  	s3 =	sand.u32 $0x4000, s31;
	s1 =	sadd.s32 s1, s30  }
0xb9: {  	s0 =	sor.u32 s3, s0;
	s1 =	sshll.u32 s1, $0x11  }
0xba: {  	s0 =	sor.u32 s1, s0  }
0xbb: {  	s0 =	sadd.s32 $0x8F2B, s0  }
0xbc: {  	[sflag:s0] =	ssyncadd.remote.s32 $0x1  }
0xbd: {  	_ =	sfence.sel $0xFFFF  }
0xbe: {  	[dreg:$0x0] =	wrdreg $0xFFFFFFFF;
	(pc) =	sbr.abs _section_cstart, $3  }
0xbf: {  	[dreg:$0x1] =	wrdreg $0xFFFFFFFF  }
0xc0: {  	_ =	task.clear_ibuf [dreg:s6], $0x2FFFF;
	_ =	strace $0x9FFFFFFF  }
0xc1: {  	(tm) =	ssettm $0x7FFFFFFF  }
tec
execute0_lowered:
.L_overlay_start_1:
0x0: {  	(tag) =	ssettag $0x1  }
0x1: {  	s1 =	srdreg.scid  }
0x2: {  	s0 =	stileid.u32;
	s22 =	sand.u32 $0x1, s1  }
0x3: {  	s30 =	sshll.u32 s0, $0xA;
	s2 =	sshll.u32 s22, $0x9  }
0x4: {  	s19 =	rddreg [dreg:$0x0];
	s10 =	sor.u32 s2, s30  }
0x5: {  	s1 =	rddreg [dreg:$0x1];
	s2 =	simm.s32 $0x0;
	s3 =	sshrl.u32 s10, $0x3  }
0x6: {  	[smem:$0x7FF] =	sst s2;
	s17 =	sadd.s32 s3, s19  }
0x7: {  	_ =	strace $0x80000047;
	s3 =	simm.s32 $0x3;
	s4 =	sadd.s32 $0x3A00, s17  }
0x8: {  	[tilespmem:s2], [sflag:$0x3] =	stream.linear.gather [hbm4b:s4+s2], $0x200, $0x38;
	[tilespmem:$0x8200] =	vst v63  }
0x9: {  	_ =	swait.ge [sflag:s3], $0x200  }
0xa: {  	s6 =	simm.s32 $0x80;
	[sflag:s3] =	ssyncset.done $0x0  }
0xb: {  	s7 =	simm.s32 $0x200;
	s5 =	sadd.s32 $0x7C4200, s19;
	[sflag:s3] =	ssyncadd.s32 $0xFFFFFE00  }
0xc: {  	[tilespmem:s7], [sflag:$0x1] =	stream.indirect.gather [hbm4b:s5+s6], $0x80, s2, s6, $0xb8;
	[tilespmem:$0x8200] =	vst v63  }
0xd: {  	s8 =	simm.s32 $0x4200;
	s9 =	simm.s32 $0x1  }
0xe: {  	[tilespmem:s8], [sflag:$0x2] =	stream.indirect.gather [hbm4b:s5+s6], $0x80, s6, s6, $0xb8;
	[tilespmem:$0x8200] =	vst v63  }
0xf: {  	_ =	swait.ge [sflag:s9], $0x4000  }
0x10: {  	s16 =	sadd.s32 $0x8A4200, s19;
	s20 =	sshll.u32 s10, $0x4;
	[sflag:s9] =	ssyncset.done $0x0  }
0x11: {  	s10 =	sadd.s32 s16, s20;
	[sflag:s9] =	ssyncadd.s32 $0xFFFFC000  }
0x12: {  	[hbm4b:s10+s2] =	stream.linear.scatter [tilespmem:s7], [sflag:$0x3], $0x4000, $0x38;
	[tilespmem:$0x8200] =	vst v63  }
0x13: {  	_ =	swait.ge [sflag:s3], $0x4000  }
0x14: {  	[sflag:s3] =	ssyncset.done $0x0  }
0x15: {  	s11 =	simm.s32 $0x100;
	s12 =	simm.s32 $0x2;
	[sflag:s3] =	ssyncadd.s32 $0xFFFFC000  }
0x16: {  	[tilespmem:s7], [sflag:$0x1] =	stream.indirect.gather [hbm4b:s5+s6], $0x80, s11, s6, $0xb8;
	[tilespmem:$0x8200] =	vst v63  }
0x17: {  	_ =	swait.ge [sflag:s12], $0x4000  }
0x18: {  	s21 =	sor.u32 $0x800, s20;
	[sflag:s12] =	ssyncset.done $0x0  }
0x19: {  	s13 =	sadd.s32 s16, s21;
	[sflag:s12] =	ssyncadd.s32 $0xFFFFC000  }
0x1a: {  	[hbm4b:s13+s2] =	stream.linear.scatter [tilespmem:s8], [sflag:$0x3], $0x4000, $0x38;
	[tilespmem:$0x8200] =	vst v63  }
0x1b: {  	_ =	swait.ge [sflag:s3], $0x4000  }
0x1c: {  	[sflag:s3] =	ssyncset.done $0x0  }
0x1d: {  	s14 =	simm.s32 $0x180;
	[sflag:s3] =	ssyncadd.s32 $0xFFFFC000  }
0x1e: {  	[tilespmem:s8], [sflag:$0x2] =	stream.indirect.gather [hbm4b:s5+s6], $0x80, s14, s6, $0xb8;
	[tilespmem:$0x8200] =	vst v63  }
0x1f: {  	_ =	swait.ge [sflag:s9], $0x4000  }
0x20: {  	s23 =	sor.u32 $0x1000, s20;
	[sflag:s9] =	ssyncset.done $0x0  }
0x21: {  	s15 =	sadd.s32 s16, s23;
	[sflag:s9] =	ssyncadd.s32 $0xFFFFC000  }
0x22: {  	[hbm4b:s15+s2] =	stream.linear.scatter [tilespmem:s7], [sflag:$0x3], $0x4000, $0x38;
	[tilespmem:$0x8200] =	vst v63  }
0x23: {  	_ =	swait.ge [sflag:s3], $0x4000  }
0x24: {  	[sflag:s3] =	ssyncset.done $0x0  }
0x25: {  	[sflag:s3] =	ssyncadd.s32 $0xFFFFC000  }
0x26: {  	_ =	swait.ge [sflag:s12], $0x4000  }
0x27: {  	s24 =	sor.u32 $0x1800, s20;
	[sflag:s12] =	ssyncset.done $0x0  }
0x28: {  	s16 =	sadd.s32 s16, s24;
	[sflag:s12] =	ssyncadd.s32 $0xFFFFC000  }
0x29: {  	[hbm4b:s16+s2] =	stream.linear.scatter [tilespmem:s8], [sflag:$0x3], $0x4000, $0x38;
	[tilespmem:$0x8200] =	vst v63  }
0x2a: {  	_ =	swait.ge [sflag:s3], $0x4000  }
0x2b: {  	[sflag:s3] =	ssyncset.done $0x0  }
0x2c: {  	s17 =	sadd.s32 $0x3200, s17;
	[sflag:s3] =	ssyncadd.s32 $0xFFFFC000  }
0x2d: {  	[tilespmem:s2], [sflag:$0x3] =	stream.linear.gather [hbm4b:s17+s2], $0x200, $0x38;
	[tilespmem:$0x8200] =	vst v63  }
0x2e: {  	_ =	swait.ge [sflag:s3], $0x200  }
0x2f: {  	[sflag:s3] =	ssyncset.done $0x0  }
0x30: {  	s18 =	sadd.s32 $0x4200, s19;
	[sflag:s3] =	ssyncadd.s32 $0xFFFFFE00  }
0x31: {  	[tilespmem:s7], [sflag:$0x1] =	stream.indirect.gather [hbm4b:s18+s6], $0x80, s2, s6, $0xb8;
	[tilespmem:$0x8200] =	vst v63  }
0x32: {  	_ = 	snop  }
0x33: {  	[tilespmem:s8], [sflag:$0x2] =	stream.indirect.gather [hbm4b:s18+s6], $0x80, s6, s6, $0xb8;
	[tilespmem:$0x8200] =	vst v63  }
0x34: {  	_ =	swait.ge [sflag:s9], $0x4000  }
0x35: {  	s25 =	sadd.s32 $0x8E4200, s19;
	[sflag:s9] =	ssyncset.done $0x0  }
0x36: {  	s19 =	sadd.s32 s25, s20;
	[sflag:s9] =	ssyncadd.s32 $0xFFFFC000  }
0x37: {  	[hbm4b:s19+s2] =	stream.linear.scatter [tilespmem:s7], [sflag:$0x3], $0x4000, $0x38;
	[tilespmem:$0x8200] =	vst v63  }
0x38: {  	_ =	swait.ge [sflag:s3], $0x4000  }
0x39: {  	[sflag:s3] =	ssyncset.done $0x0  }
0x3a: {  	[sflag:s3] =	ssyncadd.s32 $0xFFFFC000  }
0x3b: {  	[tilespmem:s7], [sflag:$0x1] =	stream.indirect.gather [hbm4b:s18+s6], $0x80, s11, s6, $0xb8;
	[tilespmem:$0x8200] =	vst v63  }
0x3c: {  	_ =	swait.ge [sflag:s12], $0x4000  }
0x3d: {  	[sflag:s12] =	ssyncset.done $0x0  }
0x3e: {  	s20 =	sadd.s32 s25, s21;
	[sflag:s12] =	ssyncadd.s32 $0xFFFFC000  }
0x3f: {  	[hbm4b:s20+s2] =	stream.linear.scatter [tilespmem:s8], [sflag:$0x3], $0x4000, $0x38;
	[tilespmem:$0x8200] =	vst v63  }
0x40: {  	_ =	swait.ge [sflag:s3], $0x4000  }
0x41: {  	[sflag:s3] =	ssyncset.done $0x0  }
0x42: {  	[sflag:s3] =	ssyncadd.s32 $0xFFFFC000  }
0x43: {  	[tilespmem:s8], [sflag:$0x2] =	stream.indirect.gather [hbm4b:s18+s6], $0x80, s14, s6, $0xb8;
	[tilespmem:$0x8200] =	vst v63  }
0x44: {  	_ =	swait.ge [sflag:s9], $0x4000  }
0x45: {  	[sflag:s9] =	ssyncset.done $0x0  }
0x46: {  	s22 =	ssub.s32 $0x2, s22;
	s21 =	sadd.s32 s25, s23;
	[sflag:s9] =	ssyncadd.s32 $0xFFFFC000  }
0x47: {  	[hbm4b:s21+s2] =	stream.linear.scatter [tilespmem:s7], [sflag:$0x3], $0x4000, $0x38;
	[tilespmem:$0x8200] =	vst v63  }
0x48: {  	s31 =	sshrl.u32 s22, $0x1;
	_ =	swait.ge [sflag:s3], $0x4000  }
0x49: {  	s23 =	ssub.s32 s22, s31;
	[sflag:s3] =	ssyncset.done $0x0  }
0x4a: {  	s23 =	smax.u32 s23, $0x1;
	[sflag:s3] =	ssyncadd.s32 $0xFFFFC000  }
0x4b: {  	p0 =	sne.s32 s23, $0x1;
	_ =	swait.ge [sflag:s12], $0x4000  }
.Ltmp0:
0x4c: {  	[sflag:s12] =	ssyncset.done $0x0;
	(pc) =	sbr.rel @!p0 .LBB2_2-.Ltmp0, $4  }
0x4d: {  	s22 =	sadd.s32 s25, s24;
	[sflag:s12] =	ssyncadd.s32 $0xFFFFC000  }
0x4e: {  	[hbm4b:s22+s2] =	stream.linear.scatter [tilespmem:s8], [sflag:$0x3], $0x4000, $0x38;
	[tilespmem:$0x8200] =	vst v63  }
0x4f: {  	_ =	swait.ge [sflag:s3], $0x4000  }
0x50: {  	s23 =	sadd.s32 $0xFFFFFFFF, s23;
	[sflag:s3] =	ssyncset.done $0x0  }
.LBB2_1:
0x51: {  	p0 =	sne.s32 s23, $0x1;
	s23 =	sadd.s32 $0xFFFFFFFF, s23;
	[sflag:s3] =	ssyncadd.s32 $0xFFFFC000  }
0x52: {  	[tilespmem:s2], [sflag:$0x3] =	stream.linear.gather [hbm4b:s4+s2], $0x200, $0x38;
	[tilespmem:$0x8200] =	vst v63  }
0x53: {  	_ =	swait.ge [sflag:s3], $0x200  }
0x54: {  	[sflag:s3] =	ssyncset.done $0x0  }
0x55: {  	[sflag:s3] =	ssyncadd.s32 $0xFFFFFE00  }
0x56: {  	[tilespmem:s7], [sflag:$0x1] =	stream.indirect.gather [hbm4b:s5+s6], $0x80, s2, s6, $0xb8;
	[tilespmem:$0x8200] =	vst v63  }
0x57: {  	_ = 	snop  }
0x58: {  	[tilespmem:s8], [sflag:$0x2] =	stream.indirect.gather [hbm4b:s5+s6], $0x80, s6, s6, $0xb8;
	[tilespmem:$0x8200] =	vst v63  }
0x59: {  	_ =	swait.ge [sflag:s9], $0x4000  }
0x5a: {  	[sflag:s9] =	ssyncset.done $0x0  }
0x5b: {  	[sflag:s9] =	ssyncadd.s32 $0xFFFFC000  }
0x5c: {  	[hbm4b:s10+s2] =	stream.linear.scatter [tilespmem:s7], [sflag:$0x3], $0x4000, $0x38;
	[tilespmem:$0x8200] =	vst v63  }
0x5d: {  	_ =	swait.ge [sflag:s3], $0x4000  }
0x5e: {  	[sflag:s3] =	ssyncset.done $0x0  }
0x5f: {  	[sflag:s3] =	ssyncadd.s32 $0xFFFFC000  }
0x60: {  	[tilespmem:s7], [sflag:$0x1] =	stream.indirect.gather [hbm4b:s5+s6], $0x80, s11, s6, $0xb8;
	[tilespmem:$0x8200] =	vst v63  }
0x61: {  	_ =	swait.ge [sflag:s12], $0x4000  }
0x62: {  	[sflag:s12] =	ssyncset.done $0x0  }
0x63: {  	[sflag:s12] =	ssyncadd.s32 $0xFFFFC000  }
0x64: {  	[hbm4b:s13+s2] =	stream.linear.scatter [tilespmem:s8], [sflag:$0x3], $0x4000, $0x38;
	[tilespmem:$0x8200] =	vst v63  }
0x65: {  	_ =	swait.ge [sflag:s3], $0x4000  }
0x66: {  	[sflag:s3] =	ssyncset.done $0x0  }
0x67: {  	[sflag:s3] =	ssyncadd.s32 $0xFFFFC000  }
0x68: {  	[tilespmem:s8], [sflag:$0x2] =	stream.indirect.gather [hbm4b:s5+s6], $0x80, s14, s6, $0xb8;
	[tilespmem:$0x8200] =	vst v63  }
0x69: {  	_ =	swait.ge [sflag:s9], $0x4000  }
0x6a: {  	[sflag:s9] =	ssyncset.done $0x0  }
0x6b: {  	[sflag:s9] =	ssyncadd.s32 $0xFFFFC000  }
0x6c: {  	[hbm4b:s15+s2] =	stream.linear.scatter [tilespmem:s7], [sflag:$0x3], $0x4000, $0x38;
	[tilespmem:$0x8200] =	vst v63  }
0x6d: {  	_ =	swait.ge [sflag:s3], $0x4000  }
0x6e: {  	[sflag:s3] =	ssyncset.done $0x0  }
0x6f: {  	[sflag:s3] =	ssyncadd.s32 $0xFFFFC000  }
0x70: {  	_ =	swait.ge [sflag:s12], $0x4000  }
0x71: {  	[sflag:s12] =	ssyncset.done $0x0  }
0x72: {  	[sflag:s12] =	ssyncadd.s32 $0xFFFFC000  }
0x73: {  	[hbm4b:s16+s2] =	stream.linear.scatter [tilespmem:s8], [sflag:$0x3], $0x4000, $0x38;
	[tilespmem:$0x8200] =	vst v63  }
0x74: {  	_ =	swait.ge [sflag:s3], $0x4000  }
0x75: {  	[sflag:s3] =	ssyncset.done $0x0  }
0x76: {  	[sflag:s3] =	ssyncadd.s32 $0xFFFFC000  }
0x77: {  	[tilespmem:s2], [sflag:$0x3] =	stream.linear.gather [hbm4b:s17+s2], $0x200, $0x38;
	[tilespmem:$0x8200] =	vst v63  }
0x78: {  	_ =	swait.ge [sflag:s3], $0x200  }
0x79: {  	[sflag:s3] =	ssyncset.done $0x0  }
0x7a: {  	[sflag:s3] =	ssyncadd.s32 $0xFFFFFE00  }
0x7b: {  	[tilespmem:s7], [sflag:$0x1] =	stream.indirect.gather [hbm4b:s18+s6], $0x80, s2, s6, $0xb8;
	[tilespmem:$0x8200] =	vst v63  }
0x7c: {  	_ = 	snop  }
0x7d: {  	[tilespmem:s8], [sflag:$0x2] =	stream.indirect.gather [hbm4b:s18+s6], $0x80, s6, s6, $0xb8;
	[tilespmem:$0x8200] =	vst v63  }
0x7e: {  	_ =	swait.ge [sflag:s9], $0x4000  }
0x7f: {  	[sflag:s9] =	ssyncset.done $0x0  }
0x80: {  	[sflag:s9] =	ssyncadd.s32 $0xFFFFC000  }
0x81: {  	[hbm4b:s19+s2] =	stream.linear.scatter [tilespmem:s7], [sflag:$0x3], $0x4000, $0x38;
	[tilespmem:$0x8200] =	vst v63  }
0x82: {  	_ =	swait.ge [sflag:s3], $0x4000  }
0x83: {  	[sflag:s3] =	ssyncset.done $0x0  }
0x84: {  	[sflag:s3] =	ssyncadd.s32 $0xFFFFC000  }
0x85: {  	[tilespmem:s7], [sflag:$0x1] =	stream.indirect.gather [hbm4b:s18+s6], $0x80, s11, s6, $0xb8;
	[tilespmem:$0x8200] =	vst v63  }
0x86: {  	_ =	swait.ge [sflag:s12], $0x4000  }
0x87: {  	[sflag:s12] =	ssyncset.done $0x0  }
0x88: {  	[sflag:s12] =	ssyncadd.s32 $0xFFFFC000  }
0x89: {  	[hbm4b:s20+s2] =	stream.linear.scatter [tilespmem:s8], [sflag:$0x3], $0x4000, $0x38;
	[tilespmem:$0x8200] =	vst v63  }
0x8a: {  	_ =	swait.ge [sflag:s3], $0x4000  }
0x8b: {  	[sflag:s3] =	ssyncset.done $0x0  }
0x8c: {  	[sflag:s3] =	ssyncadd.s32 $0xFFFFC000  }
0x8d: {  	[tilespmem:s8], [sflag:$0x2] =	stream.indirect.gather [hbm4b:s18+s6], $0x80, s14, s6, $0xb8;
	[tilespmem:$0x8200] =	vst v63  }
0x8e: {  	_ =	swait.ge [sflag:s9], $0x4000  }
0x8f: {  	[sflag:s9] =	ssyncset.done $0x0  }
0x90: {  	[sflag:s9] =	ssyncadd.s32 $0xFFFFC000  }
0x91: {  	[hbm4b:s21+s2] =	stream.linear.scatter [tilespmem:s7], [sflag:$0x3], $0x4000, $0x38;
	[tilespmem:$0x8200] =	vst v63  }
0x92: {  	_ =	swait.ge [sflag:s3], $0x4000  }
0x93: {  	[sflag:s3] =	ssyncset.done $0x0  }
0x94: {  	[sflag:s3] =	ssyncadd.s32 $0xFFFFC000  }
0x95: {  	_ =	swait.ge [sflag:s12], $0x4000  }
.Ltmp1:
0x96: {  	[sflag:s12] =	ssyncset.done $0x0;
	(pc) =	sbr.rel @p0 .LBB2_1-.Ltmp1, $4  }
0x97: {  	[sflag:s12] =	ssyncadd.s32 $0xFFFFC000  }
0x98: {  	[hbm4b:s22+s2] =	stream.linear.scatter [tilespmem:s8], [sflag:$0x3], $0x4000, $0x38;
	[tilespmem:$0x8200] =	vst v63  }
0x99: {  	_ =	swait.ge [sflag:s3], $0x4000  }
0x9a: {  	[sflag:s3] =	ssyncset.done $0x0  }
.LBB2_2:
0x9b: {  	[sflag:s3] =	ssyncadd.s32 $0xFFFFC000  }
0x9c: {  	_ =	sfence.sel $0x180000  }
0x9d: {  	[bflag:$0x0] =	sbarrier.arrive $0xFFFF  }
0x9e: {  	p0 =	sne.s32 s0, $0x0;
	_ =	strace $0x90000047  }
0x9f: {  	s0 =	sadd.s32 @!p0 $0x100000, s1;
	[bflag:$0x2] =	sbarrier.arrive $0xFFFF  }
0xa0: {  	[sflag:s0] =	ssyncadd.tile.s32 @!p0 $0x1;
	_ =	shalt  }
.Lfunc_end2:
_tile_overlayer_lowered:
.L_overlay_start_2:
0xa1: {  	(tag) =	ssettag $0x2  }
0xa2: {  	s0 =	rddreg [dreg:$0x0];
	s2 =	stileid.u32  }
0xa3: {  	s1 =	rddreg [dreg:$0x1];
	p0 =	sne.s32 s2, $0x0  }
0xa4: {  	s3 =	rddreg [dreg:$0x2];
	[bflag:$0x3] =	sbarrier.arrive $0xFFFF;
	s2 =	simm.s32 @!p0 $0x1C03  }
0xa5: {  	[timem:s3], [sflag:s2] =	dma.local @!p0 [hbm:s0], s1  }
0xa6: {  	s0 =	simm.s32 @!p0 $0x3  }
0xa7: {  	_ =	swait.ge @!p0 [sflag:s0], s1  }
0xa8: {  	s1 =	ssub.s32 @!p0 $0x0, s1;
	[sflag:s0] =	ssyncset.done @!p0 $0x0  }
0xa9: {  	[sflag:s0] =	ssyncadd.s32 @!p0 s1  }
0xaa: {  	[bflag:$0x3] =	sbarrier.arrive $0xFFFF  }
0xab: {  	_ =	shalt  }

</sc_bundles>
